<compile_context>
chip_gen: v7x
topology: tpu7x:2x2x1
jax: 0.10.2.dev20260603
libtpu: 0.0.44.dev20260713+nightly
codegen_flags: <defaults>
</compile_context>

<pallas_src>
import jax
import jax.numpy as jnp
from jax import lax
from jax.experimental import pallas as pl
from jax.experimental.pallas import tpu as pltpu
from jax.experimental.pallas import tpu_sc as plsc

BATCH = 4096
SEQ = 50
VOCAB = 100000
LANES = 16
NC = 2
NS = 16
NW = NC * NS
ROWS_PER_W = BATCH // NW
IDX_PER_W = ROWS_PER_W * SEQ
CHUNK = 128
NCHUNK = IDX_PER_W // CHUNK
NGROUP = ROWS_PER_W // LANES
HALF_CHUNKS = NCHUNK // 2
HALF_VALS = HALF_CHUNKS * CHUNK


def _body(xf, yf, w, u, bvec_hbm, out,
          idx_x, idx_y, vals_x, vals_y, acc_v, b_v,
          w_s, u_s, sem_io, sem_a, sem_b, sem_c, sem_d):
    sid = lax.axis_index("s")
    wid = sid * NC + lax.axis_index("c")

    @pl.when(sid == 0)
    def _():
        pltpu.sync_copy(w, w_s)

    @pl.when(sid == 1)
    def _():
        pltpu.sync_copy(u, u_s)

    pltpu.async_copy(xf.at[wid], idx_x, sem_io)
    pltpu.async_copy(yf.at[wid], idx_y, sem_io)
    pltpu.async_copy(bvec_hbm, b_v, sem_io)
    pltpu.make_async_copy(xf.at[wid], idx_x, sem_io).wait()
    pltpu.make_async_copy(yf.at[wid], idx_y, sem_io).wait()
    pltpu.make_async_copy(bvec_hbm, b_v, sem_io).wait()

    plsc.subcore_barrier()

    def fire(idx_v, table_s, vals_v, lo, sem):
        def chunk(j, _):
            pltpu.async_copy(
                table_s.at[idx_v.at[j]],
                vals_v.at[pl.ds(j * CHUNK, CHUNK)],
                sem,
            )
            return 0

        lax.fori_loop(lo, lo + HALF_CHUNKS, chunk, 0, unroll=5)

    fire(idx_x, w_s, vals_x, 0, sem_a)
    fire(idx_y, u_s, vals_y, 0, sem_b)
    fire(idx_x, w_s, vals_x, HALF_CHUNKS, sem_c)
    fire(idx_y, u_s, vals_y, HALF_CHUNKS, sem_d)

    def drain(sem):
        pltpu.make_async_copy(
            w.at[pl.ds(0, HALF_VALS)], vals_x.at[pl.ds(0, HALF_VALS)], sem
        ).wait()

    bv = b_v[...]
    zero = jnp.zeros((LANES,), jnp.float32)
    one = jnp.ones((LANES,), jnp.int32)
    rv0 = lax.broadcasted_iota(jnp.int32, (LANES,), 0) * SEQ

    def accum_groups(k_lo, k_hi):
        for k in range(k_lo, k_hi):
            def step(s, carry, base=k * LANES * SEQ):
                ax, ay, pv = carry
                return (ax + plsc.load_gather(vals_x, [pv]),
                        ay + plsc.load_gather(vals_y, [pv]),
                        pv + one)

            ax, ay, _ = lax.fori_loop(
                0, SEQ, step, (zero, zero, rv0 + (k * LANES * SEQ)), unroll=10)
            z = ax + ay + bv
            acc_v[pl.ds(k * LANES, LANES)] = 1.0 / (1.0 + jnp.exp(-z))

    drain(sem_a)
    drain(sem_b)
    accum_groups(0, NGROUP // 2)
    drain(sem_c)
    drain(sem_d)
    accum_groups(NGROUP // 2, NGROUP)

    pltpu.sync_copy(acc_v, out.at[pl.ds(wid * ROWS_PER_W, ROWS_PER_W)])


def kernel(X, Y, W, U, b):
    xf = X.reshape(NW, NCHUNK, CHUNK)
    yf = Y.reshape(NW, NCHUNK, CHUNK)
    bvec = jnp.full((LANES,), b, dtype=jnp.float32)

    mesh = plsc.VectorSubcoreMesh(core_axis_name="c", subcore_axis_name="s")
    f = pl.kernel(
        _body,
        out_type=jax.ShapeDtypeStruct((BATCH,), jnp.float32),
        mesh=mesh,
        compiler_params=pltpu.CompilerParams(needs_layout_passes=False),
        scratch_types=[
            pltpu.VMEM((NCHUNK, CHUNK), jnp.int32),
            pltpu.VMEM((NCHUNK, CHUNK), jnp.int32),
            pltpu.VMEM((IDX_PER_W,), jnp.float32),
            pltpu.VMEM((IDX_PER_W,), jnp.float32),
            pltpu.VMEM((ROWS_PER_W,), jnp.float32),
            pltpu.VMEM((LANES,), jnp.float32),
            pltpu.VMEM_SHARED((VOCAB,), jnp.float32),
            pltpu.VMEM_SHARED((VOCAB,), jnp.float32),
            pltpu.SemaphoreType.DMA,
            pltpu.SemaphoreType.DMA,
            pltpu.SemaphoreType.DMA,
            pltpu.SemaphoreType.DMA,
            pltpu.SemaphoreType.DMA,
        ],
    )
    return f(xf, yf, W, U, bvec)

# --- scband reference (transcript-rebuilt; emitter-appended) ---
"""Pipeline reference for scband-assistant-model-binary-52570399703298 (READ-ONLY COPY).

The authoritative reference and input builder live on the scoring server;
editing this copy changes nothing except your own understanding.
"""

import jax, jax.numpy as jnp
import numpy as np

VOCAB_SRC = 100000
VOCAB_TGT = 100000
PAD_SRC = 1
PAD_TGT = 1
BATCH = 4096
SEQ = 50


def setup_inputs(seed: int = 0) -> dict:
    key = jax.random.key(seed)
    k1, k2, k3, k4 = jax.random.split(key, 4)
    X = jax.random.randint(k1, (BATCH, SEQ), 0, VOCAB_SRC, dtype=jnp.int32)
    Y = jax.random.randint(k2, (BATCH, SEQ), 0, VOCAB_TGT, dtype=jnp.int32)
    W = 0.001 * jax.random.normal(k3, (VOCAB_SRC,), dtype=jnp.float32)
    U = 0.001 * jax.random.normal(k4, (VOCAB_TGT,), dtype=jnp.float32)
    W = W.at[PAD_SRC].set(0.0)
    U = U.at[PAD_TGT].set(0.0)
    b = jnp.float32(0.0)
    return {"X": X, "Y": Y, "W": W, "U": U, "b": b}


def reference(X, Y, W, U, b):
    # compute(XX, W) = W[XX.reshape(-1)].reshape(XX.shape).sum(1)
    wx = jnp.take(W, X.reshape(-1), axis=0).reshape(X.shape).sum(axis=1)
    uy = jnp.take(U, Y.reshape(-1), axis=0).reshape(Y.shape).sum(axis=1)
    prob = jax.nn.sigmoid(wx + uy + b)
    return prob

if __name__ == "__main__":
    import jax
    _d = setup_inputs()
    print(jax.jit(kernel)(*tuple(_d.values())))

</pallas_src>

<mosaic_0001>
#map = affine_map<(d0, d1) -> (0, 0, 0)>
#map1 = affine_map<(d0, d1) -> (0)>
module attributes {stable_mosaic.version = 14 : i64} {
  func.func @_body(%arg0: i32, %arg1: i32, %arg2: memref<32x50x128xi32, #tpu.memory_space<hbm>>, %arg3: memref<32x50x128xi32, #tpu.memory_space<hbm>>, %arg4: memref<100000xf32, #tpu.memory_space<hbm>>, %arg5: memref<100000xf32, #tpu.memory_space<hbm>>, %arg6: memref<16xf32, #tpu.memory_space<hbm>>, %arg7: memref<4096xf32, #tpu.memory_space<hbm>>, %arg8: memref<50x128xi32, #tpu.memory_space<vmem>>, %arg9: memref<50x128xi32, #tpu.memory_space<vmem>>, %arg10: memref<6400xf32, #tpu.memory_space<vmem>>, %arg11: memref<6400xf32, #tpu.memory_space<vmem>>, %arg12: memref<128xf32, #tpu.memory_space<vmem>>, %arg13: memref<16xf32, #tpu.memory_space<vmem>>, %arg14: memref<100000xf32, #tpu.memory_space<vmem_shared>>, %arg15: memref<100000xf32, #tpu.memory_space<vmem_shared>>, %arg16: memref<!tpu.dma_semaphore, #tpu.memory_space<semaphore_mem>>, %arg17: memref<!tpu.dma_semaphore, #tpu.memory_space<semaphore_mem>>, %arg18: memref<!tpu.dma_semaphore, #tpu.memory_space<semaphore_mem>>, %arg19: memref<!tpu.dma_semaphore, #tpu.memory_space<semaphore_mem>>, %arg20: memref<!tpu.dma_semaphore, #tpu.memory_space<semaphore_mem>>) attributes {dimension_semantics = [#tpu.dimension_semantics<core_parallel>, #tpu.dimension_semantics<subcore_parallel>], iteration_bounds = array<i64: 2, 16>, scalar_prefetch = 0 : i64, scratch_operands = 13 : i64, tpu.core_type = #tpu.core_type<sc_vector_subcore>, window_params = [{transform_indices = #map}, {transform_indices = #map}, {transform_indices = #map1}, {transform_indices = #map1}, {transform_indices = #map1}, {transform_indices = #map1}]} {
    %mul3A = arith.constant 2 : i32
    %mul3A_0 = arith.muli %arg1, %mul3A : i32
    %add3A = arith.addi %mul3A_0, %arg0 : i32
    %eq3A = arith.constant 0 : i32
    %eq3A_1 = arith.cmpi eq, %arg1, %eq3A : i32
    %convert_element_type3A = arith.extui %eq3A_1 : i1 to i32
    %cond3A = arith.constant 0 : i32
    %cond3A_2 = arith.cmpi ne, %convert_element_type3A, %cond3A : i32
    scf.if %cond3A_2 {
      "tpu.region"() ({
        %run_scoped3A = tpu.sem_alloc : memref<!tpu.dma_semaphore, #tpu.memory_space<semaphore_mem>>
        tpu.enqueue_dma source(%arg4 : memref<100000xf32, #tpu.memory_space<hbm>>) target(%arg14 : memref<100000xf32, #tpu.memory_space<vmem_shared>>) target_semaphore(%run_scoped3A : memref<!tpu.dma_semaphore, #tpu.memory_space<semaphore_mem>>)
        tpu.wait_dma2 semaphore(%run_scoped3A : memref<!tpu.dma_semaphore, #tpu.memory_space<semaphore_mem>>) src(%arg4 : memref<100000xf32, #tpu.memory_space<hbm>>) dst(%arg14 : memref<100000xf32, #tpu.memory_space<vmem_shared>>)
        tpu.yield
      }) : () -> ()
    } else {
    }
    %eq3A_3 = arith.constant 1 : i32
    %eq3A_4 = arith.cmpi eq, %arg1, %eq3A_3 : i32
    %convert_element_type3A_5 = arith.extui %eq3A_4 : i1 to i32
    %cond3A_6 = arith.constant 0 : i32
    %cond3A_7 = arith.cmpi ne, %convert_element_type3A_5, %cond3A_6 : i32
    scf.if %cond3A_7 {
      "tpu.region"() ({
        %run_scoped3A = tpu.sem_alloc : memref<!tpu.dma_semaphore, #tpu.memory_space<semaphore_mem>>
        tpu.enqueue_dma source(%arg5 : memref<100000xf32, #tpu.memory_space<hbm>>) target(%arg15 : memref<100000xf32, #tpu.memory_space<vmem_shared>>) target_semaphore(%run_scoped3A : memref<!tpu.dma_semaphore, #tpu.memory_space<semaphore_mem>>)
        tpu.wait_dma2 semaphore(%run_scoped3A : memref<!tpu.dma_semaphore, #tpu.memory_space<semaphore_mem>>) src(%arg5 : memref<100000xf32, #tpu.memory_space<hbm>>) dst(%arg15 : memref<100000xf32, #tpu.memory_space<vmem_shared>>)
        tpu.yield
      }) : () -> ()
    } else {
    }
    %dma_start3A = arith.constant 0 : i32
    %dma_start3A_8 = arith.constant 0 : i32
    %dma_start3A_9 = tpu.memref_slice %arg2[%add3A, %dma_start3A, %dma_start3A_8] : memref<32x50x128xi32, #tpu.memory_space<hbm>> -> memref<1x50x128xi32, #tpu.memory_space<hbm>>
    %dma_start3A_10 = tpu.memref_squeeze %dma_start3A_9 : memref<1x50x128xi32, #tpu.memory_space<hbm>> -> memref<50x128xi32, #tpu.memory_space<hbm>>
    %dma_start3A_11 = arith.constant 0 : i32
    %dma_start3A_12 = arith.constant 0 : i32
    %dma_start3A_13 = tpu.memref_slice %arg2[%add3A, %dma_start3A_11, %dma_start3A_12] : memref<32x50x128xi32, #tpu.memory_space<hbm>> -> memref<1x50x128xi32, #tpu.memory_space<hbm>>
    %dma_start3A_14 = tpu.memref_squeeze %dma_start3A_13 : memref<1x50x128xi32, #tpu.memory_space<hbm>> -> memref<50x128xi32, #tpu.memory_space<hbm>>
    tpu.enqueue_dma source(%dma_start3A_14 : memref<50x128xi32, #tpu.memory_space<hbm>>) target(%arg8 : memref<50x128xi32, #tpu.memory_space<vmem>>) target_semaphore(%arg16 : memref<!tpu.dma_semaphore, #tpu.memory_space<semaphore_mem>>)
    %dma_start3A_15 = arith.constant 0 : i32
    %dma_start3A_16 = arith.constant 0 : i32
    %dma_start3A_17 = tpu.memref_slice %arg3[%add3A, %dma_start3A_15, %dma_start3A_16] : memref<32x50x128xi32, #tpu.memory_space<hbm>> -> memref<1x50x128xi32, #tpu.memory_space<hbm>>
    %dma_start3A_18 = tpu.memref_squeeze %dma_start3A_17 : memref<1x50x128xi32, #tpu.memory_space<hbm>> -> memref<50x128xi32, #tpu.memory_space<hbm>>
    %dma_start3A_19 = arith.constant 0 : i32
    %dma_start3A_20 = arith.constant 0 : i32
    %dma_start3A_21 = tpu.memref_slice %arg3[%add3A, %dma_start3A_19, %dma_start3A_20] : memref<32x50x128xi32, #tpu.memory_space<hbm>> -> memref<1x50x128xi32, #tpu.memory_space<hbm>>
    %dma_start3A_22 = tpu.memref_squeeze %dma_start3A_21 : memref<1x50x128xi32, #tpu.memory_space<hbm>> -> memref<50x128xi32, #tpu.memory_space<hbm>>
    tpu.enqueue_dma source(%dma_start3A_22 : memref<50x128xi32, #tpu.memory_space<hbm>>) target(%arg9 : memref<50x128xi32, #tpu.memory_space<vmem>>) target_semaphore(%arg16 : memref<!tpu.dma_semaphore, #tpu.memory_space<semaphore_mem>>)
    tpu.enqueue_dma source(%arg6 : memref<16xf32, #tpu.memory_space<hbm>>) target(%arg13 : memref<16xf32, #tpu.memory_space<vmem>>) target_semaphore(%arg16 : memref<!tpu.dma_semaphore, #tpu.memory_space<semaphore_mem>>)
    %dma_wait3A = arith.constant 0 : i32
    %dma_wait3A_23 = arith.constant 0 : i32
    %dma_wait3A_24 = tpu.memref_slice %arg2[%add3A, %dma_wait3A, %dma_wait3A_23] : memref<32x50x128xi32, #tpu.memory_space<hbm>> -> memref<1x50x128xi32, #tpu.memory_space<hbm>>
    %dma_wait3A_25 = tpu.memref_squeeze %dma_wait3A_24 : memref<1x50x128xi32, #tpu.memory_space<hbm>> -> memref<50x128xi32, #tpu.memory_space<hbm>>
    %dma_wait3A_26 = arith.constant 0 : i32
    %dma_wait3A_27 = arith.constant 0 : i32
    %dma_wait3A_28 = tpu.memref_slice %arg2[%add3A, %dma_wait3A_26, %dma_wait3A_27] : memref<32x50x128xi32, #tpu.memory_space<hbm>> -> memref<1x50x128xi32, #tpu.memory_space<hbm>>
    %dma_wait3A_29 = tpu.memref_squeeze %dma_wait3A_28 : memref<1x50x128xi32, #tpu.memory_space<hbm>> -> memref<50x128xi32, #tpu.memory_space<hbm>>
    tpu.wait_dma2 semaphore(%arg16 : memref<!tpu.dma_semaphore, #tpu.memory_space<semaphore_mem>>) src(%dma_wait3A_29 : memref<50x128xi32, #tpu.memory_space<hbm>>) dst(%arg8 : memref<50x128xi32, #tpu.memory_space<vmem>>)
    %dma_wait3A_30 = arith.constant 0 : i32
    %dma_wait3A_31 = arith.constant 0 : i32
    %dma_wait3A_32 = tpu.memref_slice %arg3[%add3A, %dma_wait3A_30, %dma_wait3A_31] : memref<32x50x128xi32, #tpu.memory_space<hbm>> -> memref<1x50x128xi32, #tpu.memory_space<hbm>>
    %dma_wait3A_33 = tpu.memref_squeeze %dma_wait3A_32 : memref<1x50x128xi32, #tpu.memory_space<hbm>> -> memref<50x128xi32, #tpu.memory_space<hbm>>
    %dma_wait3A_34 = arith.constant 0 : i32
    %dma_wait3A_35 = arith.constant 0 : i32
    %dma_wait3A_36 = tpu.memref_slice %arg3[%add3A, %dma_wait3A_34, %dma_wait3A_35] : memref<32x50x128xi32, #tpu.memory_space<hbm>> -> memref<1x50x128xi32, #tpu.memory_space<hbm>>
    %dma_wait3A_37 = tpu.memref_squeeze %dma_wait3A_36 : memref<1x50x128xi32, #tpu.memory_space<hbm>> -> memref<50x128xi32, #tpu.memory_space<hbm>>
    tpu.wait_dma2 semaphore(%arg16 : memref<!tpu.dma_semaphore, #tpu.memory_space<semaphore_mem>>) src(%dma_wait3A_37 : memref<50x128xi32, #tpu.memory_space<hbm>>) dst(%arg9 : memref<50x128xi32, #tpu.memory_space<vmem>>)
    tpu.wait_dma2 semaphore(%arg16 : memref<!tpu.dma_semaphore, #tpu.memory_space<semaphore_mem>>) src(%arg6 : memref<16xf32, #tpu.memory_space<hbm>>) dst(%arg13 : memref<16xf32, #tpu.memory_space<vmem>>)
    %barrier3A = arith.constant 0 : index
    tpu.barrier barrier_id(%barrier3A)
    %scan3A = arith.constant 0 : i32
    %scan3A_38 = arith.constant 0 : i32
    %scan3A_39 = arith.constant 25 : i32
    %scan3A_40 = arith.addi %scan3A_38, %scan3A_39 : i32
    %scan3A_41 = arith.constant 5 : i32
    %scan3A_42 = scf.for %scan3A_286 = %scan3A_38 to %scan3A_40 step %scan3A_41 iter_args(%scan3A_287 = %scan3A) -> (i32)  : i32 {
      %mul3A_288 = arith.constant 128 : i32
      %mul3A_289 = arith.muli %scan3A_286, %mul3A_288 : i32
      %dma_start3A_290 = tpu.memref_slice %arg10[%mul3A_289] : memref<6400xf32, #tpu.memory_space<vmem>> -> memref<128xf32, #tpu.memory_space<vmem>>
      %dma_start3A_291 = arith.constant 0 : i32
      %dma_start3A_292 = tpu.memref_slice %arg8[%scan3A_286, %dma_start3A_291] : memref<50x128xi32, #tpu.memory_space<vmem>> -> memref<1x128xi32, #tpu.memory_space<vmem>>
      %dma_start3A_293 = tpu.memref_squeeze %dma_start3A_292 : memref<1x128xi32, #tpu.memory_space<vmem>> -> memref<128xi32, #tpu.memory_space<vmem>>
      %dma_start3A_294 = arith.constant 0 : i32
      %dma_start3A_295 = tpu.memref_slice %arg14[%dma_start3A_294] : memref<100000xf32, #tpu.memory_space<vmem_shared>> -> memref<100000xf32, #tpu.memory_space<vmem_shared>>
      tpu.enqueue_indirect_dma source(%dma_start3A_295 : memref<100000xf32, #tpu.memory_space<vmem_shared>>) target(%dma_start3A_290 : memref<128xf32, #tpu.memory_space<vmem>>) offsets(%dma_start3A_293 : memref<128xi32, #tpu.memory_space<vmem>>) semaphore(%arg17 : memref<!tpu.dma_semaphore, #tpu.memory_space<semaphore_mem>>)
      %scan3A_296 = arith.constant 0 : i32
      %scan3A_297 = arith.constant 1 : i32
      %scan3A_298 = arith.addi %scan3A_286, %scan3A_297 : i32
      %mul3A_299 = arith.constant 128 : i32
      %mul3A_300 = arith.muli %scan3A_298, %mul3A_299 : i32
      %dma_start3A_301 = tpu.memref_slice %arg10[%mul3A_300] : memref<6400xf32, #tpu.memory_space<vmem>> -> memref<128xf32, #tpu.memory_space<vmem>>
      %dma_start3A_302 = arith.constant 0 : i32
      %dma_start3A_303 = tpu.memref_slice %arg8[%scan3A_298, %dma_start3A_302] : memref<50x128xi32, #tpu.memory_space<vmem>> -> memref<1x128xi32, #tpu.memory_space<vmem>>
      %dma_start3A_304 = tpu.memref_squeeze %dma_start3A_303 : memref<1x128xi32, #tpu.memory_space<vmem>> -> memref<128xi32, #tpu.memory_space<vmem>>
      %dma_start3A_305 = arith.constant 0 : i32
      %dma_start3A_306 = tpu.memref_slice %arg14[%dma_start3A_305] : memref<100000xf32, #tpu.memory_space<vmem_shared>> -> memref<100000xf32, #tpu.memory_space<vmem_shared>>
      tpu.enqueue_indirect_dma source(%dma_start3A_306 : memref<100000xf32, #tpu.memory_space<vmem_shared>>) target(%dma_start3A_301 : memref<128xf32, #tpu.memory_space<vmem>>) offsets(%dma_start3A_304 : memref<128xi32, #tpu.memory_space<vmem>>) semaphore(%arg17 : memref<!tpu.dma_semaphore, #tpu.memory_space<semaphore_mem>>)
      %scan3A_307 = arith.constant 0 : i32
      %scan3A_308 = arith.constant 2 : i32
      %scan3A_309 = arith.addi %scan3A_286, %scan3A_308 : i32
      %mul3A_310 = arith.constant 128 : i32
      %mul3A_311 = arith.muli %scan3A_309, %mul3A_310 : i32
      %dma_start3A_312 = tpu.memref_slice %arg10[%mul3A_311] : memref<6400xf32, #tpu.memory_space<vmem>> -> memref<128xf32, #tpu.memory_space<vmem>>
      %dma_start3A_313 = arith.constant 0 : i32
      %dma_start3A_314 = tpu.memref_slice %arg8[%scan3A_309, %dma_start3A_313] : memref<50x128xi32, #tpu.memory_space<vmem>> -> memref<1x128xi32, #tpu.memory_space<vmem>>
      %dma_start3A_315 = tpu.memref_squeeze %dma_start3A_314 : memref<1x128xi32, #tpu.memory_space<vmem>> -> memref<128xi32, #tpu.memory_space<vmem>>
      %dma_start3A_316 = arith.constant 0 : i32
      %dma_start3A_317 = tpu.memref_slice %arg14[%dma_start3A_316] : memref<100000xf32, #tpu.memory_space<vmem_shared>> -> memref<100000xf32, #tpu.memory_space<vmem_shared>>
      tpu.enqueue_indirect_dma source(%dma_start3A_317 : memref<100000xf32, #tpu.memory_space<vmem_shared>>) target(%dma_start3A_312 : memref<128xf32, #tpu.memory_space<vmem>>) offsets(%dma_start3A_315 : memref<128xi32, #tpu.memory_space<vmem>>) semaphore(%arg17 : memref<!tpu.dma_semaphore, #tpu.memory_space<semaphore_mem>>)
      %scan3A_318 = arith.constant 0 : i32
      %scan3A_319 = arith.constant 3 : i32
      %scan3A_320 = arith.addi %scan3A_286, %scan3A_319 : i32
      %mul3A_321 = arith.constant 128 : i32
      %mul3A_322 = arith.muli %scan3A_320, %mul3A_321 : i32
      %dma_start3A_323 = tpu.memref_slice %arg10[%mul3A_322] : memref<6400xf32, #tpu.memory_space<vmem>> -> memref<128xf32, #tpu.memory_space<vmem>>
      %dma_start3A_324 = arith.constant 0 : i32
      %dma_start3A_325 = tpu.memref_slice %arg8[%scan3A_320, %dma_start3A_324] : memref<50x128xi32, #tpu.memory_space<vmem>> -> memref<1x128xi32, #tpu.memory_space<vmem>>
      %dma_start3A_326 = tpu.memref_squeeze %dma_start3A_325 : memref<1x128xi32, #tpu.memory_space<vmem>> -> memref<128xi32, #tpu.memory_space<vmem>>
      %dma_start3A_327 = arith.constant 0 : i32
      %dma_start3A_328 = tpu.memref_slice %arg14[%dma_start3A_327] : memref<100000xf32, #tpu.memory_space<vmem_shared>> -> memref<100000xf32, #tpu.memory_space<vmem_shared>>
      tpu.enqueue_indirect_dma source(%dma_start3A_328 : memref<100000xf32, #tpu.memory_space<vmem_shared>>) target(%dma_start3A_323 : memref<128xf32, #tpu.memory_space<vmem>>) offsets(%dma_start3A_326 : memref<128xi32, #tpu.memory_space<vmem>>) semaphore(%arg17 : memref<!tpu.dma_semaphore, #tpu.memory_space<semaphore_mem>>)
      %scan3A_329 = arith.constant 0 : i32
      %scan3A_330 = arith.constant 4 : i32
      %scan3A_331 = arith.addi %scan3A_286, %scan3A_330 : i32
      %mul3A_332 = arith.constant 128 : i32
      %mul3A_333 = arith.muli %scan3A_331, %mul3A_332 : i32
      %dma_start3A_334 = tpu.memref_slice %arg10[%mul3A_333] : memref<6400xf32, #tpu.memory_space<vmem>> -> memref<128xf32, #tpu.memory_space<vmem>>
      %dma_start3A_335 = arith.constant 0 : i32
      %dma_start3A_336 = tpu.memref_slice %arg8[%scan3A_331, %dma_start3A_335] : memref<50x128xi32, #tpu.memory_space<vmem>> -> memref<1x128xi32, #tpu.memory_space<vmem>>
      %dma_start3A_337 = tpu.memref_squeeze %dma_start3A_336 : memref<1x128xi32, #tpu.memory_space<vmem>> -> memref<128xi32, #tpu.memory_space<vmem>>
      %dma_start3A_338 = arith.constant 0 : i32
      %dma_start3A_339 = tpu.memref_slice %arg14[%dma_start3A_338] : memref<100000xf32, #tpu.memory_space<vmem_shared>> -> memref<100000xf32, #tpu.memory_space<vmem_shared>>
      tpu.enqueue_indirect_dma source(%dma_start3A_339 : memref<100000xf32, #tpu.memory_space<vmem_shared>>) target(%dma_start3A_334 : memref<128xf32, #tpu.memory_space<vmem>>) offsets(%dma_start3A_337 : memref<128xi32, #tpu.memory_space<vmem>>) semaphore(%arg17 : memref<!tpu.dma_semaphore, #tpu.memory_space<semaphore_mem>>)
      %scan3A_340 = arith.constant 0 : i32
      scf.yield %scan3A_340 : i32
    }
    %scan3A_43 = arith.constant 25 : i32
    %scan3A_44 = arith.constant 0 : i32
    %scan3A_45 = arith.constant 0 : i32
    %scan3A_46 = arith.constant 25 : i32
    %scan3A_47 = arith.addi %scan3A_45, %scan3A_46 : i32
    %scan3A_48 = arith.constant 5 : i32
    %scan3A_49 = scf.for %scan3A_286 = %scan3A_45 to %scan3A_47 step %scan3A_48 iter_args(%scan3A_287 = %scan3A_44) -> (i32)  : i32 {
      %mul3A_288 = arith.constant 128 : i32
      %mul3A_289 = arith.muli %scan3A_286, %mul3A_288 : i32
      %dma_start3A_290 = tpu.memref_slice %arg11[%mul3A_289] : memref<6400xf32, #tpu.memory_space<vmem>> -> memref<128xf32, #tpu.memory_space<vmem>>
      %dma_start3A_291 = arith.constant 0 : i32
      %dma_start3A_292 = tpu.memref_slice %arg9[%scan3A_286, %dma_start3A_291] : memref<50x128xi32, #tpu.memory_space<vmem>> -> memref<1x128xi32, #tpu.memory_space<vmem>>
      %dma_start3A_293 = tpu.memref_squeeze %dma_start3A_292 : memref<1x128xi32, #tpu.memory_space<vmem>> -> memref<128xi32, #tpu.memory_space<vmem>>
      %dma_start3A_294 = arith.constant 0 : i32
      %dma_start3A_295 = tpu.memref_slice %arg15[%dma_start3A_294] : memref<100000xf32, #tpu.memory_space<vmem_shared>> -> memref<100000xf32, #tpu.memory_space<vmem_shared>>
      tpu.enqueue_indirect_dma source(%dma_start3A_295 : memref<100000xf32, #tpu.memory_space<vmem_shared>>) target(%dma_start3A_290 : memref<128xf32, #tpu.memory_space<vmem>>) offsets(%dma_start3A_293 : memref<128xi32, #tpu.memory_space<vmem>>) semaphore(%arg18 : memref<!tpu.dma_semaphore, #tpu.memory_space<semaphore_mem>>)
      %scan3A_296 = arith.constant 0 : i32
      %scan3A_297 = arith.constant 1 : i32
      %scan3A_298 = arith.addi %scan3A_286, %scan3A_297 : i32
      %mul3A_299 = arith.constant 128 : i32
      %mul3A_300 = arith.muli %scan3A_298, %mul3A_299 : i32
      %dma_start3A_301 = tpu.memref_slice %arg11[%mul3A_300] : memref<6400xf32, #tpu.memory_space<vmem>> -> memref<128xf32, #tpu.memory_space<vmem>>
      %dma_start3A_302 = arith.constant 0 : i32
      %dma_start3A_303 = tpu.memref_slice %arg9[%scan3A_298, %dma_start3A_302] : memref<50x128xi32, #tpu.memory_space<vmem>> -> memref<1x128xi32, #tpu.memory_space<vmem>>
      %dma_start3A_304 = tpu.memref_squeeze %dma_start3A_303 : memref<1x128xi32, #tpu.memory_space<vmem>> -> memref<128xi32, #tpu.memory_space<vmem>>
      %dma_start3A_305 = arith.constant 0 : i32
      %dma_start3A_306 = tpu.memref_slice %arg15[%dma_start3A_305] : memref<100000xf32, #tpu.memory_space<vmem_shared>> -> memref<100000xf32, #tpu.memory_space<vmem_shared>>
      tpu.enqueue_indirect_dma source(%dma_start3A_306 : memref<100000xf32, #tpu.memory_space<vmem_shared>>) target(%dma_start3A_301 : memref<128xf32, #tpu.memory_space<vmem>>) offsets(%dma_start3A_304 : memref<128xi32, #tpu.memory_space<vmem>>) semaphore(%arg18 : memref<!tpu.dma_semaphore, #tpu.memory_space<semaphore_mem>>)
      %scan3A_307 = arith.constant 0 : i32
      %scan3A_308 = arith.constant 2 : i32
      %scan3A_309 = arith.addi %scan3A_286, %scan3A_308 : i32
      %mul3A_310 = arith.constant 128 : i32
      %mul3A_311 = arith.muli %scan3A_309, %mul3A_310 : i32
      %dma_start3A_312 = tpu.memref_slice %arg11[%mul3A_311] : memref<6400xf32, #tpu.memory_space<vmem>> -> memref<128xf32, #tpu.memory_space<vmem>>
      %dma_start3A_313 = arith.constant 0 : i32
      %dma_start3A_314 = tpu.memref_slice %arg9[%scan3A_309, %dma_start3A_313] : memref<50x128xi32, #tpu.memory_space<vmem>> -> memref<1x128xi32, #tpu.memory_space<vmem>>
      %dma_start3A_315 = tpu.memref_squeeze %dma_start3A_314 : memref<1x128xi32, #tpu.memory_space<vmem>> -> memref<128xi32, #tpu.memory_space<vmem>>
      %dma_start3A_316 = arith.constant 0 : i32
      %dma_start3A_317 = tpu.memref_slice %arg15[%dma_start3A_316] : memref<100000xf32, #tpu.memory_space<vmem_shared>> -> memref<100000xf32, #tpu.memory_space<vmem_shared>>
      tpu.enqueue_indirect_dma source(%dma_start3A_317 : memref<100000xf32, #tpu.memory_space<vmem_shared>>) target(%dma_start3A_312 : memref<128xf32, #tpu.memory_space<vmem>>) offsets(%dma_start3A_315 : memref<128xi32, #tpu.memory_space<vmem>>) semaphore(%arg18 : memref<!tpu.dma_semaphore, #tpu.memory_space<semaphore_mem>>)
      %scan3A_318 = arith.constant 0 : i32
      %scan3A_319 = arith.constant 3 : i32
      %scan3A_320 = arith.addi %scan3A_286, %scan3A_319 : i32
      %mul3A_321 = arith.constant 128 : i32
      %mul3A_322 = arith.muli %scan3A_320, %mul3A_321 : i32
      %dma_start3A_323 = tpu.memref_slice %arg11[%mul3A_322] : memref<6400xf32, #tpu.memory_space<vmem>> -> memref<128xf32, #tpu.memory_space<vmem>>
      %dma_start3A_324 = arith.constant 0 : i32
      %dma_start3A_325 = tpu.memref_slice %arg9[%scan3A_320, %dma_start3A_324] : memref<50x128xi32, #tpu.memory_space<vmem>> -> memref<1x128xi32, #tpu.memory_space<vmem>>
      %dma_start3A_326 = tpu.memref_squeeze %dma_start3A_325 : memref<1x128xi32, #tpu.memory_space<vmem>> -> memref<128xi32, #tpu.memory_space<vmem>>
      %dma_start3A_327 = arith.constant 0 : i32
      %dma_start3A_328 = tpu.memref_slice %arg15[%dma_start3A_327] : memref<100000xf32, #tpu.memory_space<vmem_shared>> -> memref<100000xf32, #tpu.memory_space<vmem_shared>>
      tpu.enqueue_indirect_dma source(%dma_start3A_328 : memref<100000xf32, #tpu.memory_space<vmem_shared>>) target(%dma_start3A_323 : memref<128xf32, #tpu.memory_space<vmem>>) offsets(%dma_start3A_326 : memref<128xi32, #tpu.memory_space<vmem>>) semaphore(%arg18 : memref<!tpu.dma_semaphore, #tpu.memory_space<semaphore_mem>>)
      %scan3A_329 = arith.constant 0 : i32
      %scan3A_330 = arith.constant 4 : i32
      %scan3A_331 = arith.addi %scan3A_286, %scan3A_330 : i32
      %mul3A_332 = arith.constant 128 : i32
      %mul3A_333 = arith.muli %scan3A_331, %mul3A_332 : i32
      %dma_start3A_334 = tpu.memref_slice %arg11[%mul3A_333] : memref<6400xf32, #tpu.memory_space<vmem>> -> memref<128xf32, #tpu.memory_space<vmem>>
      %dma_start3A_335 = arith.constant 0 : i32
      %dma_start3A_336 = tpu.memref_slice %arg9[%scan3A_331, %dma_start3A_335] : memref<50x128xi32, #tpu.memory_space<vmem>> -> memref<1x128xi32, #tpu.memory_space<vmem>>
      %dma_start3A_337 = tpu.memref_squeeze %dma_start3A_336 : memref<1x128xi32, #tpu.memory_space<vmem>> -> memref<128xi32, #tpu.memory_space<vmem>>
      %dma_start3A_338 = arith.constant 0 : i32
      %dma_start3A_339 = tpu.memref_slice %arg15[%dma_start3A_338] : memref<100000xf32, #tpu.memory_space<vmem_shared>> -> memref<100000xf32, #tpu.memory_space<vmem_shared>>
      tpu.enqueue_indirect_dma source(%dma_start3A_339 : memref<100000xf32, #tpu.memory_space<vmem_shared>>) target(%dma_start3A_334 : memref<128xf32, #tpu.memory_space<vmem>>) offsets(%dma_start3A_337 : memref<128xi32, #tpu.memory_space<vmem>>) semaphore(%arg18 : memref<!tpu.dma_semaphore, #tpu.memory_space<semaphore_mem>>)
      %scan3A_340 = arith.constant 0 : i32
      scf.yield %scan3A_340 : i32
    }
    %scan3A_50 = arith.constant 25 : i32
    %scan3A_51 = arith.constant 0 : i32
    %scan3A_52 = arith.constant 25 : i32
    %scan3A_53 = arith.constant 25 : i32
    %scan3A_54 = arith.addi %scan3A_52, %scan3A_53 : i32
    %scan3A_55 = arith.constant 5 : i32
    %scan3A_56 = scf.for %scan3A_286 = %scan3A_52 to %scan3A_54 step %scan3A_55 iter_args(%scan3A_287 = %scan3A_51) -> (i32)  : i32 {
      %mul3A_288 = arith.constant 128 : i32
      %mul3A_289 = arith.muli %scan3A_286, %mul3A_288 : i32
      %dma_start3A_290 = tpu.memref_slice %arg10[%mul3A_289] : memref<6400xf32, #tpu.memory_space<vmem>> -> memref<128xf32, #tpu.memory_space<vmem>>
      %dma_start3A_291 = arith.constant 0 : i32
      %dma_start3A_292 = tpu.memref_slice %arg8[%scan3A_286, %dma_start3A_291] : memref<50x128xi32, #tpu.memory_space<vmem>> -> memref<1x128xi32, #tpu.memory_space<vmem>>
      %dma_start3A_293 = tpu.memref_squeeze %dma_start3A_292 : memref<1x128xi32, #tpu.memory_space<vmem>> -> memref<128xi32, #tpu.memory_space<vmem>>
      %dma_start3A_294 = arith.constant 0 : i32
      %dma_start3A_295 = tpu.memref_slice %arg14[%dma_start3A_294] : memref<100000xf32, #tpu.memory_space<vmem_shared>> -> memref<100000xf32, #tpu.memory_space<vmem_shared>>
      tpu.enqueue_indirect_dma source(%dma_start3A_295 : memref<100000xf32, #tpu.memory_space<vmem_shared>>) target(%dma_start3A_290 : memref<128xf32, #tpu.memory_space<vmem>>) offsets(%dma_start3A_293 : memref<128xi32, #tpu.memory_space<vmem>>) semaphore(%arg19 : memref<!tpu.dma_semaphore, #tpu.memory_space<semaphore_mem>>)
      %scan3A_296 = arith.constant 0 : i32
      %scan3A_297 = arith.constant 1 : i32
      %scan3A_298 = arith.addi %scan3A_286, %scan3A_297 : i32
      %mul3A_299 = arith.constant 128 : i32
      %mul3A_300 = arith.muli %scan3A_298, %mul3A_299 : i32
      %dma_start3A_301 = tpu.memref_slice %arg10[%mul3A_300] : memref<6400xf32, #tpu.memory_space<vmem>> -> memref<128xf32, #tpu.memory_space<vmem>>
      %dma_start3A_302 = arith.constant 0 : i32
      %dma_start3A_303 = tpu.memref_slice %arg8[%scan3A_298, %dma_start3A_302] : memref<50x128xi32, #tpu.memory_space<vmem>> -> memref<1x128xi32, #tpu.memory_space<vmem>>
      %dma_start3A_304 = tpu.memref_squeeze %dma_start3A_303 : memref<1x128xi32, #tpu.memory_space<vmem>> -> memref<128xi32, #tpu.memory_space<vmem>>
      %dma_start3A_305 = arith.constant 0 : i32
      %dma_start3A_306 = tpu.memref_slice %arg14[%dma_start3A_305] : memref<100000xf32, #tpu.memory_space<vmem_shared>> -> memref<100000xf32, #tpu.memory_space<vmem_shared>>
      tpu.enqueue_indirect_dma source(%dma_start3A_306 : memref<100000xf32, #tpu.memory_space<vmem_shared>>) target(%dma_start3A_301 : memref<128xf32, #tpu.memory_space<vmem>>) offsets(%dma_start3A_304 : memref<128xi32, #tpu.memory_space<vmem>>) semaphore(%arg19 : memref<!tpu.dma_semaphore, #tpu.memory_space<semaphore_mem>>)
      %scan3A_307 = arith.constant 0 : i32
      %scan3A_308 = arith.constant 2 : i32
      %scan3A_309 = arith.addi %scan3A_286, %scan3A_308 : i32
      %mul3A_310 = arith.constant 128 : i32
      %mul3A_311 = arith.muli %scan3A_309, %mul3A_310 : i32
      %dma_start3A_312 = tpu.memref_slice %arg10[%mul3A_311] : memref<6400xf32, #tpu.memory_space<vmem>> -> memref<128xf32, #tpu.memory_space<vmem>>
      %dma_start3A_313 = arith.constant 0 : i32
      %dma_start3A_314 = tpu.memref_slice %arg8[%scan3A_309, %dma_start3A_313] : memref<50x128xi32, #tpu.memory_space<vmem>> -> memref<1x128xi32, #tpu.memory_space<vmem>>
      %dma_start3A_315 = tpu.memref_squeeze %dma_start3A_314 : memref<1x128xi32, #tpu.memory_space<vmem>> -> memref<128xi32, #tpu.memory_space<vmem>>
      %dma_start3A_316 = arith.constant 0 : i32
      %dma_start3A_317 = tpu.memref_slice %arg14[%dma_start3A_316] : memref<100000xf32, #tpu.memory_space<vmem_shared>> -> memref<100000xf32, #tpu.memory_space<vmem_shared>>
      tpu.enqueue_indirect_dma source(%dma_start3A_317 : memref<100000xf32, #tpu.memory_space<vmem_shared>>) target(%dma_start3A_312 : memref<128xf32, #tpu.memory_space<vmem>>) offsets(%dma_start3A_315 : memref<128xi32, #tpu.memory_space<vmem>>) semaphore(%arg19 : memref<!tpu.dma_semaphore, #tpu.memory_space<semaphore_mem>>)
      %scan3A_318 = arith.constant 0 : i32
      %scan3A_319 = arith.constant 3 : i32
      %scan3A_320 = arith.addi %scan3A_286, %scan3A_319 : i32
      %mul3A_321 = arith.constant 128 : i32
      %mul3A_322 = arith.muli %scan3A_320, %mul3A_321 : i32
      %dma_start3A_323 = tpu.memref_slice %arg10[%mul3A_322] : memref<6400xf32, #tpu.memory_space<vmem>> -> memref<128xf32, #tpu.memory_space<vmem>>
      %dma_start3A_324 = arith.constant 0 : i32
      %dma_start3A_325 = tpu.memref_slice %arg8[%scan3A_320, %dma_start3A_324] : memref<50x128xi32, #tpu.memory_space<vmem>> -> memref<1x128xi32, #tpu.memory_space<vmem>>
      %dma_start3A_326 = tpu.memref_squeeze %dma_start3A_325 : memref<1x128xi32, #tpu.memory_space<vmem>> -> memref<128xi32, #tpu.memory_space<vmem>>
      %dma_start3A_327 = arith.constant 0 : i32
      %dma_start3A_328 = tpu.memref_slice %arg14[%dma_start3A_327] : memref<100000xf32, #tpu.memory_space<vmem_shared>> -> memref<100000xf32, #tpu.memory_space<vmem_shared>>
      tpu.enqueue_indirect_dma source(%dma_start3A_328 : memref<100000xf32, #tpu.memory_space<vmem_shared>>) target(%dma_start3A_323 : memref<128xf32, #tpu.memory_space<vmem>>) offsets(%dma_start3A_326 : memref<128xi32, #tpu.memory_space<vmem>>) semaphore(%arg19 : memref<!tpu.dma_semaphore, #tpu.memory_space<semaphore_mem>>)
      %scan3A_329 = arith.constant 0 : i32
      %scan3A_330 = arith.constant 4 : i32
      %scan3A_331 = arith.addi %scan3A_286, %scan3A_330 : i32
      %mul3A_332 = arith.constant 128 : i32
      %mul3A_333 = arith.muli %scan3A_331, %mul3A_332 : i32
      %dma_start3A_334 = tpu.memref_slice %arg10[%mul3A_333] : memref<6400xf32, #tpu.memory_space<vmem>> -> memref<128xf32, #tpu.memory_space<vmem>>
      %dma_start3A_335 = arith.constant 0 : i32
      %dma_start3A_336 = tpu.memref_slice %arg8[%scan3A_331, %dma_start3A_335] : memref<50x128xi32, #tpu.memory_space<vmem>> -> memref<1x128xi32, #tpu.memory_space<vmem>>
      %dma_start3A_337 = tpu.memref_squeeze %dma_start3A_336 : memref<1x128xi32, #tpu.memory_space<vmem>> -> memref<128xi32, #tpu.memory_space<vmem>>
      %dma_start3A_338 = arith.constant 0 : i32
      %dma_start3A_339 = tpu.memref_slice %arg14[%dma_start3A_338] : memref<100000xf32, #tpu.memory_space<vmem_shared>> -> memref<100000xf32, #tpu.memory_space<vmem_shared>>
      tpu.enqueue_indirect_dma source(%dma_start3A_339 : memref<100000xf32, #tpu.memory_space<vmem_shared>>) target(%dma_start3A_334 : memref<128xf32, #tpu.memory_space<vmem>>) offsets(%dma_start3A_337 : memref<128xi32, #tpu.memory_space<vmem>>) semaphore(%arg19 : memref<!tpu.dma_semaphore, #tpu.memory_space<semaphore_mem>>)
      %scan3A_340 = arith.constant 0 : i32
      scf.yield %scan3A_340 : i32
    }
    %scan3A_57 = arith.constant 25 : i32
    %scan3A_58 = arith.constant 0 : i32
    %scan3A_59 = arith.constant 25 : i32
    %scan3A_60 = arith.constant 25 : i32
    %scan3A_61 = arith.addi %scan3A_59, %scan3A_60 : i32
    %scan3A_62 = arith.constant 5 : i32
    %scan3A_63 = scf.for %scan3A_286 = %scan3A_59 to %scan3A_61 step %scan3A_62 iter_args(%scan3A_287 = %scan3A_58) -> (i32)  : i32 {
      %mul3A_288 = arith.constant 128 : i32
      %mul3A_289 = arith.muli %scan3A_286, %mul3A_288 : i32
      %dma_start3A_290 = tpu.memref_slice %arg11[%mul3A_289] : memref<6400xf32, #tpu.memory_space<vmem>> -> memref<128xf32, #tpu.memory_space<vmem>>
      %dma_start3A_291 = arith.constant 0 : i32
      %dma_start3A_292 = tpu.memref_slice %arg9[%scan3A_286, %dma_start3A_291] : memref<50x128xi32, #tpu.memory_space<vmem>> -> memref<1x128xi32, #tpu.memory_space<vmem>>
      %dma_start3A_293 = tpu.memref_squeeze %dma_start3A_292 : memref<1x128xi32, #tpu.memory_space<vmem>> -> memref<128xi32, #tpu.memory_space<vmem>>
      %dma_start3A_294 = arith.constant 0 : i32
      %dma_start3A_295 = tpu.memref_slice %arg15[%dma_start3A_294] : memref<100000xf32, #tpu.memory_space<vmem_shared>> -> memref<100000xf32, #tpu.memory_space<vmem_shared>>
      tpu.enqueue_indirect_dma source(%dma_start3A_295 : memref<100000xf32, #tpu.memory_space<vmem_shared>>) target(%dma_start3A_290 : memref<128xf32, #tpu.memory_space<vmem>>) offsets(%dma_start3A_293 : memref<128xi32, #tpu.memory_space<vmem>>) semaphore(%arg20 : memref<!tpu.dma_semaphore, #tpu.memory_space<semaphore_mem>>)
      %scan3A_296 = arith.constant 0 : i32
      %scan3A_297 = arith.constant 1 : i32
      %scan3A_298 = arith.addi %scan3A_286, %scan3A_297 : i32
      %mul3A_299 = arith.constant 128 : i32
      %mul3A_300 = arith.muli %scan3A_298, %mul3A_299 : i32
      %dma_start3A_301 = tpu.memref_slice %arg11[%mul3A_300] : memref<6400xf32, #tpu.memory_space<vmem>> -> memref<128xf32, #tpu.memory_space<vmem>>
      %dma_start3A_302 = arith.constant 0 : i32
      %dma_start3A_303 = tpu.memref_slice %arg9[%scan3A_298, %dma_start3A_302] : memref<50x128xi32, #tpu.memory_space<vmem>> -> memref<1x128xi32, #tpu.memory_space<vmem>>
      %dma_start3A_304 = tpu.memref_squeeze %dma_start3A_303 : memref<1x128xi32, #tpu.memory_space<vmem>> -> memref<128xi32, #tpu.memory_space<vmem>>
      %dma_start3A_305 = arith.constant 0 : i32
      %dma_start3A_306 = tpu.memref_slice %arg15[%dma_start3A_305] : memref<100000xf32, #tpu.memory_space<vmem_shared>> -> memref<100000xf32, #tpu.memory_space<vmem_shared>>
      tpu.enqueue_indirect_dma source(%dma_start3A_306 : memref<100000xf32, #tpu.memory_space<vmem_shared>>) target(%dma_start3A_301 : memref<128xf32, #tpu.memory_space<vmem>>) offsets(%dma_start3A_304 : memref<128xi32, #tpu.memory_space<vmem>>) semaphore(%arg20 : memref<!tpu.dma_semaphore, #tpu.memory_space<semaphore_mem>>)
      %scan3A_307 = arith.constant 0 : i32
      %scan3A_308 = arith.constant 2 : i32
      %scan3A_309 = arith.addi %scan3A_286, %scan3A_308 : i32
      %mul3A_310 = arith.constant 128 : i32
      %mul3A_311 = arith.muli %scan3A_309, %mul3A_310 : i32
      %dma_start3A_312 = tpu.memref_slice %arg11[%mul3A_311] : memref<6400xf32, #tpu.memory_space<vmem>> -> memref<128xf32, #tpu.memory_space<vmem>>
      %dma_start3A_313 = arith.constant 0 : i32
      %dma_start3A_314 = tpu.memref_slice %arg9[%scan3A_309, %dma_start3A_313] : memref<50x128xi32, #tpu.memory_space<vmem>> -> memref<1x128xi32, #tpu.memory_space<vmem>>
      %dma_start3A_315 = tpu.memref_squeeze %dma_start3A_314 : memref<1x128xi32, #tpu.memory_space<vmem>> -> memref<128xi32, #tpu.memory_space<vmem>>
      %dma_start3A_316 = arith.constant 0 : i32
      %dma_start3A_317 = tpu.memref_slice %arg15[%dma_start3A_316] : memref<100000xf32, #tpu.memory_space<vmem_shared>> -> memref<100000xf32, #tpu.memory_space<vmem_shared>>
      tpu.enqueue_indirect_dma source(%dma_start3A_317 : memref<100000xf32, #tpu.memory_space<vmem_shared>>) target(%dma_start3A_312 : memref<128xf32, #tpu.memory_space<vmem>>) offsets(%dma_start3A_315 : memref<128xi32, #tpu.memory_space<vmem>>) semaphore(%arg20 : memref<!tpu.dma_semaphore, #tpu.memory_space<semaphore_mem>>)
      %scan3A_318 = arith.constant 0 : i32
      %scan3A_319 = arith.constant 3 : i32
      %scan3A_320 = arith.addi %scan3A_286, %scan3A_319 : i32
      %mul3A_321 = arith.constant 128 : i32
      %mul3A_322 = arith.muli %scan3A_320, %mul3A_321 : i32
      %dma_start3A_323 = tpu.memref_slice %arg11[%mul3A_322] : memref<6400xf32, #tpu.memory_space<vmem>> -> memref<128xf32, #tpu.memory_space<vmem>>
      %dma_start3A_324 = arith.constant 0 : i32
      %dma_start3A_325 = tpu.memref_slice %arg9[%scan3A_320, %dma_start3A_324] : memref<50x128xi32, #tpu.memory_space<vmem>> -> memref<1x128xi32, #tpu.memory_space<vmem>>
      %dma_start3A_326 = tpu.memref_squeeze %dma_start3A_325 : memref<1x128xi32, #tpu.memory_space<vmem>> -> memref<128xi32, #tpu.memory_space<vmem>>
      %dma_start3A_327 = arith.constant 0 : i32
      %dma_start3A_328 = tpu.memref_slice %arg15[%dma_start3A_327] : memref<100000xf32, #tpu.memory_space<vmem_shared>> -> memref<100000xf32, #tpu.memory_space<vmem_shared>>
      tpu.enqueue_indirect_dma source(%dma_start3A_328 : memref<100000xf32, #tpu.memory_space<vmem_shared>>) target(%dma_start3A_323 : memref<128xf32, #tpu.memory_space<vmem>>) offsets(%dma_start3A_326 : memref<128xi32, #tpu.memory_space<vmem>>) semaphore(%arg20 : memref<!tpu.dma_semaphore, #tpu.memory_space<semaphore_mem>>)
      %scan3A_329 = arith.constant 0 : i32
      %scan3A_330 = arith.constant 4 : i32
      %scan3A_331 = arith.addi %scan3A_286, %scan3A_330 : i32
      %mul3A_332 = arith.constant 128 : i32
      %mul3A_333 = arith.muli %scan3A_331, %mul3A_332 : i32
      %dma_start3A_334 = tpu.memref_slice %arg11[%mul3A_333] : memref<6400xf32, #tpu.memory_space<vmem>> -> memref<128xf32, #tpu.memory_space<vmem>>
      %dma_start3A_335 = arith.constant 0 : i32
      %dma_start3A_336 = tpu.memref_slice %arg9[%scan3A_331, %dma_start3A_335] : memref<50x128xi32, #tpu.memory_space<vmem>> -> memref<1x128xi32, #tpu.memory_space<vmem>>
      %dma_start3A_337 = tpu.memref_squeeze %dma_start3A_336 : memref<1x128xi32, #tpu.memory_space<vmem>> -> memref<128xi32, #tpu.memory_space<vmem>>
      %dma_start3A_338 = arith.constant 0 : i32
      %dma_start3A_339 = tpu.memref_slice %arg15[%dma_start3A_338] : memref<100000xf32, #tpu.memory_space<vmem_shared>> -> memref<100000xf32, #tpu.memory_space<vmem_shared>>
      tpu.enqueue_indirect_dma source(%dma_start3A_339 : memref<100000xf32, #tpu.memory_space<vmem_shared>>) target(%dma_start3A_334 : memref<128xf32, #tpu.memory_space<vmem>>) offsets(%dma_start3A_337 : memref<128xi32, #tpu.memory_space<vmem>>) semaphore(%arg20 : memref<!tpu.dma_semaphore, #tpu.memory_space<semaphore_mem>>)
      %scan3A_340 = arith.constant 0 : i32
      scf.yield %scan3A_340 : i32
    }
    %scan3A_64 = arith.constant 25 : i32
    %get3A = arith.constant 0 : index
    %get3A_65 = tpu.vector_load %arg13[%get3A] {strides = array<i32>} : memref<16xf32, #tpu.memory_space<vmem>>, vector<16xf32>,
    %broadcast_in_dim3A = arith.constant 0.000000e+00 : f32
    %broadcast_in_dim3A_66 = vector.broadcast %broadcast_in_dim3A : f32 to vector<16xf32>
    %broadcast_in_dim3A_67 = arith.constant 1 : i32
    %broadcast_in_dim3A_68 = vector.broadcast %broadcast_in_dim3A_67 : i32 to vector<16xi32>
    %iota3A = tpu.iota {dimensions = array<i32: 0>} : vector<16xi32>
    %mul3A_69 = arith.constant 50 : i32
    %mul3A_70 = vector.broadcast %mul3A_69 : i32 to vector<16xi32>
    %mul3A_71 = arith.muli %iota3A, %mul3A_70 : vector<16xi32>
    %dma_wait3A_72 = arith.constant 0 : i32
    %dma_wait3A_73 = tpu.memref_slice %arg10[%dma_wait3A_72] : memref<6400xf32, #tpu.memory_space<vmem>> -> memref<3200xf32, #tpu.memory_space<vmem>>
    %dma_wait3A_74 = arith.constant 0 : i32
    %dma_wait3A_75 = tpu.memref_slice %arg4[%dma_wait3A_74] : memref<100000xf32, #tpu.memory_space<hbm>> -> memref<3200xf32, #tpu.memory_space<hbm>>
    %dma_wait3A_76 = arith.constant 0 : i32
    %dma_wait3A_77 = tpu.memref_slice %arg10[%dma_wait3A_76] : memref<6400xf32, #tpu.memory_space<vmem>> -> memref<3200xf32, #tpu.memory_space<vmem>>
    %dma_wait3A_78 = arith.constant 0 : i32
    %dma_wait3A_79 = tpu.memref_slice %arg4[%dma_wait3A_78] : memref<100000xf32, #tpu.memory_space<hbm>> -> memref<3200xf32, #tpu.memory_space<hbm>>
    tpu.wait_dma2 semaphore(%arg17 : memref<!tpu.dma_semaphore, #tpu.memory_space<semaphore_mem>>) src(%dma_wait3A_79 : memref<3200xf32, #tpu.memory_space<hbm>>) dst(%dma_wait3A_77 : memref<3200xf32, #tpu.memory_space<vmem>>)
    %dma_wait3A_80 = arith.constant 0 : i32
    %dma_wait3A_81 = tpu.memref_slice %arg10[%dma_wait3A_80] : memref<6400xf32, #tpu.memory_space<vmem>> -> memref<3200xf32, #tpu.memory_space<vmem>>
    %dma_wait3A_82 = arith.constant 0 : i32
    %dma_wait3A_83 = tpu.memref_slice %arg4[%dma_wait3A_82] : memref<100000xf32, #tpu.memory_space<hbm>> -> memref<3200xf32, #tpu.memory_space<hbm>>
    %dma_wait3A_84 = arith.constant 0 : i32
    %dma_wait3A_85 = tpu.memref_slice %arg10[%dma_wait3A_84] : memref<6400xf32, #tpu.memory_space<vmem>> -> memref<3200xf32, #tpu.memory_space<vmem>>
    %dma_wait3A_86 = arith.constant 0 : i32
    %dma_wait3A_87 = tpu.memref_slice %arg4[%dma_wait3A_86] : memref<100000xf32, #tpu.memory_space<hbm>> -> memref<3200xf32, #tpu.memory_space<hbm>>
    tpu.wait_dma2 semaphore(%arg18 : memref<!tpu.dma_semaphore, #tpu.memory_space<semaphore_mem>>) src(%dma_wait3A_87 : memref<3200xf32, #tpu.memory_space<hbm>>) dst(%dma_wait3A_85 : memref<3200xf32, #tpu.memory_space<vmem>>)
    %add3A_88 = arith.constant 0 : i32
    %add3A_89 = vector.broadcast %add3A_88 : i32 to vector<16xi32>
    %add3A_90 = arith.addi %mul3A_71, %add3A_89 : vector<16xi32>
    %scan3A_91 = arith.constant 0 : i32
    %scan3A_92 = arith.constant 50 : i32
    %scan3A_93 = arith.addi %scan3A_91, %scan3A_92 : i32
    %scan3A_94 = arith.constant 10 : i32
    %scan3A_95:3 = scf.for %scan3A_286 = %scan3A_91 to %scan3A_93 step %scan3A_94 iter_args(%scan3A_287 = %broadcast_in_dim3A_66, %scan3A_288 = %broadcast_in_dim3A_66, %scan3A_289 = %add3A_90) -> (vector<16xf32>, vector<16xf32>, vector<16xi32>)  : i32 {
      %gather3A = tpu.vector_load_idx %arg10[%scan3A_289] : memref<6400xf32, #tpu.memory_space<vmem>>[vector<16xi32>], vector<16xf32>,
      %add3A_290 = arith.addf %scan3A_287, %gather3A : vector<16xf32>
      %gather3A_291 = tpu.vector_load_idx %arg11[%scan3A_289] : memref<6400xf32, #tpu.memory_space<vmem>>[vector<16xi32>], vector<16xf32>,
      %add3A_292 = arith.addf %scan3A_288, %gather3A_291 : vector<16xf32>
      %add3A_293 = arith.addi %scan3A_289, %broadcast_in_dim3A_68 : vector<16xi32>
      %scan3A_294 = arith.constant 1 : i32
      %scan3A_295 = arith.addi %scan3A_286, %scan3A_294 : i32
      %gather3A_296 = tpu.vector_load_idx %arg10[%add3A_293] : memref<6400xf32, #tpu.memory_space<vmem>>[vector<16xi32>], vector<16xf32>,
      %add3A_297 = arith.addf %add3A_290, %gather3A_296 : vector<16xf32>
      %gather3A_298 = tpu.vector_load_idx %arg11[%add3A_293] : memref<6400xf32, #tpu.memory_space<vmem>>[vector<16xi32>], vector<16xf32>,
      %add3A_299 = arith.addf %add3A_292, %gather3A_298 : vector<16xf32>
      %add3A_300 = arith.addi %add3A_293, %broadcast_in_dim3A_68 : vector<16xi32>
      %scan3A_301 = arith.constant 2 : i32
      %scan3A_302 = arith.addi %scan3A_286, %scan3A_301 : i32
      %gather3A_303 = tpu.vector_load_idx %arg10[%add3A_300] : memref<6400xf32, #tpu.memory_space<vmem>>[vector<16xi32>], vector<16xf32>,
      %add3A_304 = arith.addf %add3A_297, %gather3A_303 : vector<16xf32>
      %gather3A_305 = tpu.vector_load_idx %arg11[%add3A_300] : memref<6400xf32, #tpu.memory_space<vmem>>[vector<16xi32>], vector<16xf32>,
      %add3A_306 = arith.addf %add3A_299, %gather3A_305 : vector<16xf32>
      %add3A_307 = arith.addi %add3A_300, %broadcast_in_dim3A_68 : vector<16xi32>
      %scan3A_308 = arith.constant 3 : i32
      %scan3A_309 = arith.addi %scan3A_286, %scan3A_308 : i32
      %gather3A_310 = tpu.vector_load_idx %arg10[%add3A_307] : memref<6400xf32, #tpu.memory_space<vmem>>[vector<16xi32>], vector<16xf32>,
      %add3A_311 = arith.addf %add3A_304, %gather3A_310 : vector<16xf32>
      %gather3A_312 = tpu.vector_load_idx %arg11[%add3A_307] : memref<6400xf32, #tpu.memory_space<vmem>>[vector<16xi32>], vector<16xf32>,
      %add3A_313 = arith.addf %add3A_306, %gather3A_312 : vector<16xf32>
      %add3A_314 = arith.addi %add3A_307, %broadcast_in_dim3A_68 : vector<16xi32>
      %scan3A_315 = arith.constant 4 : i32
      %scan3A_316 = arith.addi %scan3A_286, %scan3A_315 : i32
      %gather3A_317 = tpu.vector_load_idx %arg10[%add3A_314] : memref<6400xf32, #tpu.memory_space<vmem>>[vector<16xi32>], vector<16xf32>,
      %add3A_318 = arith.addf %add3A_311, %gather3A_317 : vector<16xf32>
      %gather3A_319 = tpu.vector_load_idx %arg11[%add3A_314] : memref<6400xf32, #tpu.memory_space<vmem>>[vector<16xi32>], vector<16xf32>,
      %add3A_320 = arith.addf %add3A_313, %gather3A_319 : vector<16xf32>
      %add3A_321 = arith.addi %add3A_314, %broadcast_in_dim3A_68 : vector<16xi32>
      %scan3A_322 = arith.constant 5 : i32
      %scan3A_323 = arith.addi %scan3A_286, %scan3A_322 : i32
      %gather3A_324 = tpu.vector_load_idx %arg10[%add3A_321] : memref<6400xf32, #tpu.memory_space<vmem>>[vector<16xi32>], vector<16xf32>,
      %add3A_325 = arith.addf %add3A_318, %gather3A_324 : vector<16xf32>
      %gather3A_326 = tpu.vector_load_idx %arg11[%add3A_321] : memref<6400xf32, #tpu.memory_space<vmem>>[vector<16xi32>], vector<16xf32>,
      %add3A_327 = arith.addf %add3A_320, %gather3A_326 : vector<16xf32>
      %add3A_328 = arith.addi %add3A_321, %broadcast_in_dim3A_68 : vector<16xi32>
      %scan3A_329 = arith.constant 6 : i32
      %scan3A_330 = arith.addi %scan3A_286, %scan3A_329 : i32
      %gather3A_331 = tpu.vector_load_idx %arg10[%add3A_328] : memref<6400xf32, #tpu.memory_space<vmem>>[vector<16xi32>], vector<16xf32>,
      %add3A_332 = arith.addf %add3A_325, %gather3A_331 : vector<16xf32>
      %gather3A_333 = tpu.vector_load_idx %arg11[%add3A_328] : memref<6400xf32, #tpu.memory_space<vmem>>[vector<16xi32>], vector<16xf32>,
      %add3A_334 = arith.addf %add3A_327, %gather3A_333 : vector<16xf32>
      %add3A_335 = arith.addi %add3A_328, %broadcast_in_dim3A_68 : vector<16xi32>
      %scan3A_336 = arith.constant 7 : i32
      %scan3A_337 = arith.addi %scan3A_286, %scan3A_336 : i32
      %gather3A_338 = tpu.vector_load_idx %arg10[%add3A_335] : memref<6400xf32, #tpu.memory_space<vmem>>[vector<16xi32>], vector<16xf32>,
      %add3A_339 = arith.addf %add3A_332, %gather3A_338 : vector<16xf32>
      %gather3A_340 = tpu.vector_load_idx %arg11[%add3A_335] : memref<6400xf32, #tpu.memory_space<vmem>>[vector<16xi32>], vector<16xf32>,
      %add3A_341 = arith.addf %add3A_334, %gather3A_340 : vector<16xf32>
      %add3A_342 = arith.addi %add3A_335, %broadcast_in_dim3A_68 : vector<16xi32>
      %scan3A_343 = arith.constant 8 : i32
      %scan3A_344 = arith.addi %scan3A_286, %scan3A_343 : i32
      %gather3A_345 = tpu.vector_load_idx %arg10[%add3A_342] : memref<6400xf32, #tpu.memory_space<vmem>>[vector<16xi32>], vector<16xf32>,
      %add3A_346 = arith.addf %add3A_339, %gather3A_345 : vector<16xf32>
      %gather3A_347 = tpu.vector_load_idx %arg11[%add3A_342] : memref<6400xf32, #tpu.memory_space<vmem>>[vector<16xi32>], vector<16xf32>,
      %add3A_348 = arith.addf %add3A_341, %gather3A_347 : vector<16xf32>
      %add3A_349 = arith.addi %add3A_342, %broadcast_in_dim3A_68 : vector<16xi32>
      %scan3A_350 = arith.constant 9 : i32
      %scan3A_351 = arith.addi %scan3A_286, %scan3A_350 : i32
      %gather3A_352 = tpu.vector_load_idx %arg10[%add3A_349] : memref<6400xf32, #tpu.memory_space<vmem>>[vector<16xi32>], vector<16xf32>,
      %add3A_353 = arith.addf %add3A_346, %gather3A_352 : vector<16xf32>
      %gather3A_354 = tpu.vector_load_idx %arg11[%add3A_349] : memref<6400xf32, #tpu.memory_space<vmem>>[vector<16xi32>], vector<16xf32>,
      %add3A_355 = arith.addf %add3A_348, %gather3A_354 : vector<16xf32>
      %add3A_356 = arith.addi %add3A_349, %broadcast_in_dim3A_68 : vector<16xi32>
      scf.yield %add3A_353, %add3A_355, %add3A_356 : vector<16xf32>, vector<16xf32>, vector<16xi32>
    }
    %scan3A_96 = arith.constant 50 : i32
    %add3A_97 = arith.addf %scan3A_95#0, %scan3A_95#1 : vector<16xf32>
    %add3A_98 = arith.addf %add3A_97, %get3A_65 : vector<16xf32>
    %neg3A = arith.constant 0.000000e+00 : f32
    %neg3A_99 = vector.broadcast %neg3A : f32 to vector<16xf32>
    %neg3A_100 = arith.subf %neg3A_99, %add3A_98 : vector<16xf32>
    %exp3A = math.exp %neg3A_100 : vector<16xf32>
    %add3A_101 = arith.constant 1.000000e+00 : f32
    %add3A_102 = vector.broadcast %add3A_101 : f32 to vector<16xf32>
    %add3A_103 = arith.addf %add3A_102, %exp3A : vector<16xf32>
    %div3A = arith.constant 1.000000e+00 : f32
    %div3A_104 = vector.broadcast %div3A : f32 to vector<16xf32>
    %div3A_105 = arith.divf %div3A_104, %add3A_103 : vector<16xf32>
    %swap3A = arith.constant 0 : index
    %swap3A_106 = tpu.vector_load %arg12[%swap3A] {strides = array<i32>} : memref<128xf32, #tpu.memory_space<vmem>>, vector<16xf32>,
    tpu.vector_store %arg12[%swap3A], %div3A_105 {strides = array<i32>} : memref<128xf32, #tpu.memory_space<vmem>>, vector<16xf32>,
    %add3A_107 = arith.constant 800 : i32
    %add3A_108 = vector.broadcast %add3A_107 : i32 to vector<16xi32>
    %add3A_109 = arith.addi %mul3A_71, %add3A_108 : vector<16xi32>
    %scan3A_110 = arith.constant 0 : i32
    %scan3A_111 = arith.constant 50 : i32
    %scan3A_112 = arith.addi %scan3A_110, %scan3A_111 : i32
    %scan3A_113 = arith.constant 10 : i32
    %scan3A_114:3 = scf.for %scan3A_286 = %scan3A_110 to %scan3A_112 step %scan3A_113 iter_args(%scan3A_287 = %broadcast_in_dim3A_66, %scan3A_288 = %broadcast_in_dim3A_66, %scan3A_289 = %add3A_109) -> (vector<16xf32>, vector<16xf32>, vector<16xi32>)  : i32 {
      %gather3A = tpu.vector_load_idx %arg10[%scan3A_289] : memref<6400xf32, #tpu.memory_space<vmem>>[vector<16xi32>], vector<16xf32>,
      %add3A_290 = arith.addf %scan3A_287, %gather3A : vector<16xf32>
      %gather3A_291 = tpu.vector_load_idx %arg11[%scan3A_289] : memref<6400xf32, #tpu.memory_space<vmem>>[vector<16xi32>], vector<16xf32>,
      %add3A_292 = arith.addf %scan3A_288, %gather3A_291 : vector<16xf32>
      %add3A_293 = arith.addi %scan3A_289, %broadcast_in_dim3A_68 : vector<16xi32>
      %scan3A_294 = arith.constant 1 : i32
      %scan3A_295 = arith.addi %scan3A_286, %scan3A_294 : i32
      %gather3A_296 = tpu.vector_load_idx %arg10[%add3A_293] : memref<6400xf32, #tpu.memory_space<vmem>>[vector<16xi32>], vector<16xf32>,
      %add3A_297 = arith.addf %add3A_290, %gather3A_296 : vector<16xf32>
      %gather3A_298 = tpu.vector_load_idx %arg11[%add3A_293] : memref<6400xf32, #tpu.memory_space<vmem>>[vector<16xi32>], vector<16xf32>,
      %add3A_299 = arith.addf %add3A_292, %gather3A_298 : vector<16xf32>
      %add3A_300 = arith.addi %add3A_293, %broadcast_in_dim3A_68 : vector<16xi32>
      %scan3A_301 = arith.constant 2 : i32
      %scan3A_302 = arith.addi %scan3A_286, %scan3A_301 : i32
      %gather3A_303 = tpu.vector_load_idx %arg10[%add3A_300] : memref<6400xf32, #tpu.memory_space<vmem>>[vector<16xi32>], vector<16xf32>,
      %add3A_304 = arith.addf %add3A_297, %gather3A_303 : vector<16xf32>
      %gather3A_305 = tpu.vector_load_idx %arg11[%add3A_300] : memref<6400xf32, #tpu.memory_space<vmem>>[vector<16xi32>], vector<16xf32>,
      %add3A_306 = arith.addf %add3A_299, %gather3A_305 : vector<16xf32>
      %add3A_307 = arith.addi %add3A_300, %broadcast_in_dim3A_68 : vector<16xi32>
      %scan3A_308 = arith.constant 3 : i32
      %scan3A_309 = arith.addi %scan3A_286, %scan3A_308 : i32
      %gather3A_310 = tpu.vector_load_idx %arg10[%add3A_307] : memref<6400xf32, #tpu.memory_space<vmem>>[vector<16xi32>], vector<16xf32>,
      %add3A_311 = arith.addf %add3A_304, %gather3A_310 : vector<16xf32>
      %gather3A_312 = tpu.vector_load_idx %arg11[%add3A_307] : memref<6400xf32, #tpu.memory_space<vmem>>[vector<16xi32>], vector<16xf32>,
      %add3A_313 = arith.addf %add3A_306, %gather3A_312 : vector<16xf32>
      %add3A_314 = arith.addi %add3A_307, %broadcast_in_dim3A_68 : vector<16xi32>
      %scan3A_315 = arith.constant 4 : i32
      %scan3A_316 = arith.addi %scan3A_286, %scan3A_315 : i32
      %gather3A_317 = tpu.vector_load_idx %arg10[%add3A_314] : memref<6400xf32, #tpu.memory_space<vmem>>[vector<16xi32>], vector<16xf32>,
      %add3A_318 = arith.addf %add3A_311, %gather3A_317 : vector<16xf32>
      %gather3A_319 = tpu.vector_load_idx %arg11[%add3A_314] : memref<6400xf32, #tpu.memory_space<vmem>>[vector<16xi32>], vector<16xf32>,
      %add3A_320 = arith.addf %add3A_313, %gather3A_319 : vector<16xf32>
      %add3A_321 = arith.addi %add3A_314, %broadcast_in_dim3A_68 : vector<16xi32>
      %scan3A_322 = arith.constant 5 : i32
      %scan3A_323 = arith.addi %scan3A_286, %scan3A_322 : i32
      %gather3A_324 = tpu.vector_load_idx %arg10[%add3A_321] : memref<6400xf32, #tpu.memory_space<vmem>>[vector<16xi32>], vector<16xf32>,
      %add3A_325 = arith.addf %add3A_318, %gather3A_324 : vector<16xf32>
      %gather3A_326 = tpu.vector_load_idx %arg11[%add3A_321] : memref<6400xf32, #tpu.memory_space<vmem>>[vector<16xi32>], vector<16xf32>,
      %add3A_327 = arith.addf %add3A_320, %gather3A_326 : vector<16xf32>
      %add3A_328 = arith.addi %add3A_321, %broadcast_in_dim3A_68 : vector<16xi32>
      %scan3A_329 = arith.constant 6 : i32
      %scan3A_330 = arith.addi %scan3A_286, %scan3A_329 : i32
      %gather3A_331 = tpu.vector_load_idx %arg10[%add3A_328] : memref<6400xf32, #tpu.memory_space<vmem>>[vector<16xi32>], vector<16xf32>,
      %add3A_332 = arith.addf %add3A_325, %gather3A_331 : vector<16xf32>
      %gather3A_333 = tpu.vector_load_idx %arg11[%add3A_328] : memref<6400xf32, #tpu.memory_space<vmem>>[vector<16xi32>], vector<16xf32>,
      %add3A_334 = arith.addf %add3A_327, %gather3A_333 : vector<16xf32>
      %add3A_335 = arith.addi %add3A_328, %broadcast_in_dim3A_68 : vector<16xi32>
      %scan3A_336 = arith.constant 7 : i32
      %scan3A_337 = arith.addi %scan3A_286, %scan3A_336 : i32
      %gather3A_338 = tpu.vector_load_idx %arg10[%add3A_335] : memref<6400xf32, #tpu.memory_space<vmem>>[vector<16xi32>], vector<16xf32>,
      %add3A_339 = arith.addf %add3A_332, %gather3A_338 : vector<16xf32>
      %gather3A_340 = tpu.vector_load_idx %arg11[%add3A_335] : memref<6400xf32, #tpu.memory_space<vmem>>[vector<16xi32>], vector<16xf32>,
      %add3A_341 = arith.addf %add3A_334, %gather3A_340 : vector<16xf32>
      %add3A_342 = arith.addi %add3A_335, %broadcast_in_dim3A_68 : vector<16xi32>
      %scan3A_343 = arith.constant 8 : i32
      %scan3A_344 = arith.addi %scan3A_286, %scan3A_343 : i32
      %gather3A_345 = tpu.vector_load_idx %arg10[%add3A_342] : memref<6400xf32, #tpu.memory_space<vmem>>[vector<16xi32>], vector<16xf32>,
      %add3A_346 = arith.addf %add3A_339, %gather3A_345 : vector<16xf32>
      %gather3A_347 = tpu.vector_load_idx %arg11[%add3A_342] : memref<6400xf32, #tpu.memory_space<vmem>>[vector<16xi32>], vector<16xf32>,
      %add3A_348 = arith.addf %add3A_341, %gather3A_347 : vector<16xf32>
      %add3A_349 = arith.addi %add3A_342, %broadcast_in_dim3A_68 : vector<16xi32>
      %scan3A_350 = arith.constant 9 : i32
      %scan3A_351 = arith.addi %scan3A_286, %scan3A_350 : i32
      %gather3A_352 = tpu.vector_load_idx %arg10[%add3A_349] : memref<6400xf32, #tpu.memory_space<vmem>>[vector<16xi32>], vector<16xf32>,
      %add3A_353 = arith.addf %add3A_346, %gather3A_352 : vector<16xf32>
      %gather3A_354 = tpu.vector_load_idx %arg11[%add3A_349] : memref<6400xf32, #tpu.memory_space<vmem>>[vector<16xi32>], vector<16xf32>,
      %add3A_355 = arith.addf %add3A_348, %gather3A_354 : vector<16xf32>
      %add3A_356 = arith.addi %add3A_349, %broadcast_in_dim3A_68 : vector<16xi32>
      scf.yield %add3A_353, %add3A_355, %add3A_356 : vector<16xf32>, vector<16xf32>, vector<16xi32>
    }
    %scan3A_115 = arith.constant 50 : i32
    %add3A_116 = arith.addf %scan3A_114#0, %scan3A_114#1 : vector<16xf32>
    %add3A_117 = arith.addf %add3A_116, %get3A_65 : vector<16xf32>
    %neg3A_118 = arith.constant 0.000000e+00 : f32
    %neg3A_119 = vector.broadcast %neg3A_118 : f32 to vector<16xf32>
    %neg3A_120 = arith.subf %neg3A_119, %add3A_117 : vector<16xf32>
    %exp3A_121 = math.exp %neg3A_120 : vector<16xf32>
    %add3A_122 = arith.constant 1.000000e+00 : f32
    %add3A_123 = vector.broadcast %add3A_122 : f32 to vector<16xf32>
    %add3A_124 = arith.addf %add3A_123, %exp3A_121 : vector<16xf32>
    %div3A_125 = arith.constant 1.000000e+00 : f32
    %div3A_126 = vector.broadcast %div3A_125 : f32 to vector<16xf32>
    %div3A_127 = arith.divf %div3A_126, %add3A_124 : vector<16xf32>
    %swap3A_128 = arith.constant 16 : index
    %swap3A_129 = tpu.vector_load %arg12[%swap3A_128] {strides = array<i32>} : memref<128xf32, #tpu.memory_space<vmem>>, vector<16xf32>,
    tpu.vector_store %arg12[%swap3A_128], %div3A_127 {strides = array<i32>} : memref<128xf32, #tpu.memory_space<vmem>>, vector<16xf32>,
    %add3A_130 = arith.constant 1600 : i32
    %add3A_131 = vector.broadcast %add3A_130 : i32 to vector<16xi32>
    %add3A_132 = arith.addi %mul3A_71, %add3A_131 : vector<16xi32>
    %scan3A_133 = arith.constant 0 : i32
    %scan3A_134 = arith.constant 50 : i32
    %scan3A_135 = arith.addi %scan3A_133, %scan3A_134 : i32
    %scan3A_136 = arith.constant 10 : i32
    %scan3A_137:3 = scf.for %scan3A_286 = %scan3A_133 to %scan3A_135 step %scan3A_136 iter_args(%scan3A_287 = %broadcast_in_dim3A_66, %scan3A_288 = %broadcast_in_dim3A_66, %scan3A_289 = %add3A_132) -> (vector<16xf32>, vector<16xf32>, vector<16xi32>)  : i32 {
      %gather3A = tpu.vector_load_idx %arg10[%scan3A_289] : memref<6400xf32, #tpu.memory_space<vmem>>[vector<16xi32>], vector<16xf32>,
      %add3A_290 = arith.addf %scan3A_287, %gather3A : vector<16xf32>
      %gather3A_291 = tpu.vector_load_idx %arg11[%scan3A_289] : memref<6400xf32, #tpu.memory_space<vmem>>[vector<16xi32>], vector<16xf32>,
      %add3A_292 = arith.addf %scan3A_288, %gather3A_291 : vector<16xf32>
      %add3A_293 = arith.addi %scan3A_289, %broadcast_in_dim3A_68 : vector<16xi32>
      %scan3A_294 = arith.constant 1 : i32
      %scan3A_295 = arith.addi %scan3A_286, %scan3A_294 : i32
      %gather3A_296 = tpu.vector_load_idx %arg10[%add3A_293] : memref<6400xf32, #tpu.memory_space<vmem>>[vector<16xi32>], vector<16xf32>,
      %add3A_297 = arith.addf %add3A_290, %gather3A_296 : vector<16xf32>
      %gather3A_298 = tpu.vector_load_idx %arg11[%add3A_293] : memref<6400xf32, #tpu.memory_space<vmem>>[vector<16xi32>], vector<16xf32>,
      %add3A_299 = arith.addf %add3A_292, %gather3A_298 : vector<16xf32>
      %add3A_300 = arith.addi %add3A_293, %broadcast_in_dim3A_68 : vector<16xi32>
      %scan3A_301 = arith.constant 2 : i32
      %scan3A_302 = arith.addi %scan3A_286, %scan3A_301 : i32
      %gather3A_303 = tpu.vector_load_idx %arg10[%add3A_300] : memref<6400xf32, #tpu.memory_space<vmem>>[vector<16xi32>], vector<16xf32>,
      %add3A_304 = arith.addf %add3A_297, %gather3A_303 : vector<16xf32>
      %gather3A_305 = tpu.vector_load_idx %arg11[%add3A_300] : memref<6400xf32, #tpu.memory_space<vmem>>[vector<16xi32>], vector<16xf32>,
      %add3A_306 = arith.addf %add3A_299, %gather3A_305 : vector<16xf32>
      %add3A_307 = arith.addi %add3A_300, %broadcast_in_dim3A_68 : vector<16xi32>
      %scan3A_308 = arith.constant 3 : i32
      %scan3A_309 = arith.addi %scan3A_286, %scan3A_308 : i32
      %gather3A_310 = tpu.vector_load_idx %arg10[%add3A_307] : memref<6400xf32, #tpu.memory_space<vmem>>[vector<16xi32>], vector<16xf32>,
      %add3A_311 = arith.addf %add3A_304, %gather3A_310 : vector<16xf32>
      %gather3A_312 = tpu.vector_load_idx %arg11[%add3A_307] : memref<6400xf32, #tpu.memory_space<vmem>>[vector<16xi32>], vector<16xf32>,
      %add3A_313 = arith.addf %add3A_306, %gather3A_312 : vector<16xf32>
      %add3A_314 = arith.addi %add3A_307, %broadcast_in_dim3A_68 : vector<16xi32>
      %scan3A_315 = arith.constant 4 : i32
      %scan3A_316 = arith.addi %scan3A_286, %scan3A_315 : i32
      %gather3A_317 = tpu.vector_load_idx %arg10[%add3A_314] : memref<6400xf32, #tpu.memory_space<vmem>>[vector<16xi32>], vector<16xf32>,
      %add3A_318 = arith.addf %add3A_311, %gather3A_317 : vector<16xf32>
      %gather3A_319 = tpu.vector_load_idx %arg11[%add3A_314] : memref<6400xf32, #tpu.memory_space<vmem>>[vector<16xi32>], vector<16xf32>,
      %add3A_320 = arith.addf %add3A_313, %gather3A_319 : vector<16xf32>
      %add3A_321 = arith.addi %add3A_314, %broadcast_in_dim3A_68 : vector<16xi32>
      %scan3A_322 = arith.constant 5 : i32
      %scan3A_323 = arith.addi %scan3A_286, %scan3A_322 : i32
      %gather3A_324 = tpu.vector_load_idx %arg10[%add3A_321] : memref<6400xf32, #tpu.memory_space<vmem>>[vector<16xi32>], vector<16xf32>,
      %add3A_325 = arith.addf %add3A_318, %gather3A_324 : vector<16xf32>
      %gather3A_326 = tpu.vector_load_idx %arg11[%add3A_321] : memref<6400xf32, #tpu.memory_space<vmem>>[vector<16xi32>], vector<16xf32>,
      %add3A_327 = arith.addf %add3A_320, %gather3A_326 : vector<16xf32>
      %add3A_328 = arith.addi %add3A_321, %broadcast_in_dim3A_68 : vector<16xi32>
      %scan3A_329 = arith.constant 6 : i32
      %scan3A_330 = arith.addi %scan3A_286, %scan3A_329 : i32
      %gather3A_331 = tpu.vector_load_idx %arg10[%add3A_328] : memref<6400xf32, #tpu.memory_space<vmem>>[vector<16xi32>], vector<16xf32>,
      %add3A_332 = arith.addf %add3A_325, %gather3A_331 : vector<16xf32>
      %gather3A_333 = tpu.vector_load_idx %arg11[%add3A_328] : memref<6400xf32, #tpu.memory_space<vmem>>[vector<16xi32>], vector<16xf32>,
      %add3A_334 = arith.addf %add3A_327, %gather3A_333 : vector<16xf32>
      %add3A_335 = arith.addi %add3A_328, %broadcast_in_dim3A_68 : vector<16xi32>
      %scan3A_336 = arith.constant 7 : i32
      %scan3A_337 = arith.addi %scan3A_286, %scan3A_336 : i32
      %gather3A_338 = tpu.vector_load_idx %arg10[%add3A_335] : memref<6400xf32, #tpu.memory_space<vmem>>[vector<16xi32>], vector<16xf32>,
      %add3A_339 = arith.addf %add3A_332, %gather3A_338 : vector<16xf32>
      %gather3A_340 = tpu.vector_load_idx %arg11[%add3A_335] : memref<6400xf32, #tpu.memory_space<vmem>>[vector<16xi32>], vector<16xf32>,
      %add3A_341 = arith.addf %add3A_334, %gather3A_340 : vector<16xf32>
      %add3A_342 = arith.addi %add3A_335, %broadcast_in_dim3A_68 : vector<16xi32>
      %scan3A_343 = arith.constant 8 : i32
      %scan3A_344 = arith.addi %scan3A_286, %scan3A_343 : i32
      %gather3A_345 = tpu.vector_load_idx %arg10[%add3A_342] : memref<6400xf32, #tpu.memory_space<vmem>>[vector<16xi32>], vector<16xf32>,
      %add3A_346 = arith.addf %add3A_339, %gather3A_345 : vector<16xf32>
      %gather3A_347 = tpu.vector_load_idx %arg11[%add3A_342] : memref<6400xf32, #tpu.memory_space<vmem>>[vector<16xi32>], vector<16xf32>,
      %add3A_348 = arith.addf %add3A_341, %gather3A_347 : vector<16xf32>
      %add3A_349 = arith.addi %add3A_342, %broadcast_in_dim3A_68 : vector<16xi32>
      %scan3A_350 = arith.constant 9 : i32
      %scan3A_351 = arith.addi %scan3A_286, %scan3A_350 : i32
      %gather3A_352 = tpu.vector_load_idx %arg10[%add3A_349] : memref<6400xf32, #tpu.memory_space<vmem>>[vector<16xi32>], vector<16xf32>,
      %add3A_353 = arith.addf %add3A_346, %gather3A_352 : vector<16xf32>
      %gather3A_354 = tpu.vector_load_idx %arg11[%add3A_349] : memref<6400xf32, #tpu.memory_space<vmem>>[vector<16xi32>], vector<16xf32>,
      %add3A_355 = arith.addf %add3A_348, %gather3A_354 : vector<16xf32>
      %add3A_356 = arith.addi %add3A_349, %broadcast_in_dim3A_68 : vector<16xi32>
      scf.yield %add3A_353, %add3A_355, %add3A_356 : vector<16xf32>, vector<16xf32>, vector<16xi32>
    }
    %scan3A_138 = arith.constant 50 : i32
    %add3A_139 = arith.addf %scan3A_137#0, %scan3A_137#1 : vector<16xf32>
    %add3A_140 = arith.addf %add3A_139, %get3A_65 : vector<16xf32>
    %neg3A_141 = arith.constant 0.000000e+00 : f32
    %neg3A_142 = vector.broadcast %neg3A_141 : f32 to vector<16xf32>
    %neg3A_143 = arith.subf %neg3A_142, %add3A_140 : vector<16xf32>
    %exp3A_144 = math.exp %neg3A_143 : vector<16xf32>
    %add3A_145 = arith.constant 1.000000e+00 : f32
    %add3A_146 = vector.broadcast %add3A_145 : f32 to vector<16xf32>
    %add3A_147 = arith.addf %add3A_146, %exp3A_144 : vector<16xf32>
    %div3A_148 = arith.constant 1.000000e+00 : f32
    %div3A_149 = vector.broadcast %div3A_148 : f32 to vector<16xf32>
    %div3A_150 = arith.divf %div3A_149, %add3A_147 : vector<16xf32>
    %swap3A_151 = arith.constant 32 : index
    %swap3A_152 = tpu.vector_load %arg12[%swap3A_151] {strides = array<i32>} : memref<128xf32, #tpu.memory_space<vmem>>, vector<16xf32>,
    tpu.vector_store %arg12[%swap3A_151], %div3A_150 {strides = array<i32>} : memref<128xf32, #tpu.memory_space<vmem>>, vector<16xf32>,
    %add3A_153 = arith.constant 2400 : i32
    %add3A_154 = vector.broadcast %add3A_153 : i32 to vector<16xi32>
    %add3A_155 = arith.addi %mul3A_71, %add3A_154 : vector<16xi32>
    %scan3A_156 = arith.constant 0 : i32
    %scan3A_157 = arith.constant 50 : i32
    %scan3A_158 = arith.addi %scan3A_156, %scan3A_157 : i32
    %scan3A_159 = arith.constant 10 : i32
    %scan3A_160:3 = scf.for %scan3A_286 = %scan3A_156 to %scan3A_158 step %scan3A_159 iter_args(%scan3A_287 = %broadcast_in_dim3A_66, %scan3A_288 = %broadcast_in_dim3A_66, %scan3A_289 = %add3A_155) -> (vector<16xf32>, vector<16xf32>, vector<16xi32>)  : i32 {
      %gather3A = tpu.vector_load_idx %arg10[%scan3A_289] : memref<6400xf32, #tpu.memory_space<vmem>>[vector<16xi32>], vector<16xf32>,
      %add3A_290 = arith.addf %scan3A_287, %gather3A : vector<16xf32>
      %gather3A_291 = tpu.vector_load_idx %arg11[%scan3A_289] : memref<6400xf32, #tpu.memory_space<vmem>>[vector<16xi32>], vector<16xf32>,
      %add3A_292 = arith.addf %scan3A_288, %gather3A_291 : vector<16xf32>
      %add3A_293 = arith.addi %scan3A_289, %broadcast_in_dim3A_68 : vector<16xi32>
      %scan3A_294 = arith.constant 1 : i32
      %scan3A_295 = arith.addi %scan3A_286, %scan3A_294 : i32
      %gather3A_296 = tpu.vector_load_idx %arg10[%add3A_293] : memref<6400xf32, #tpu.memory_space<vmem>>[vector<16xi32>], vector<16xf32>,
      %add3A_297 = arith.addf %add3A_290, %gather3A_296 : vector<16xf32>
      %gather3A_298 = tpu.vector_load_idx %arg11[%add3A_293] : memref<6400xf32, #tpu.memory_space<vmem>>[vector<16xi32>], vector<16xf32>,
      %add3A_299 = arith.addf %add3A_292, %gather3A_298 : vector<16xf32>
      %add3A_300 = arith.addi %add3A_293, %broadcast_in_dim3A_68 : vector<16xi32>
      %scan3A_301 = arith.constant 2 : i32
      %scan3A_302 = arith.addi %scan3A_286, %scan3A_301 : i32
      %gather3A_303 = tpu.vector_load_idx %arg10[%add3A_300] : memref<6400xf32, #tpu.memory_space<vmem>>[vector<16xi32>], vector<16xf32>,
      %add3A_304 = arith.addf %add3A_297, %gather3A_303 : vector<16xf32>
      %gather3A_305 = tpu.vector_load_idx %arg11[%add3A_300] : memref<6400xf32, #tpu.memory_space<vmem>>[vector<16xi32>], vector<16xf32>,
      %add3A_306 = arith.addf %add3A_299, %gather3A_305 : vector<16xf32>
      %add3A_307 = arith.addi %add3A_300, %broadcast_in_dim3A_68 : vector<16xi32>
      %scan3A_308 = arith.constant 3 : i32
      %scan3A_309 = arith.addi %scan3A_286, %scan3A_308 : i32
      %gather3A_310 = tpu.vector_load_idx %arg10[%add3A_307] : memref<6400xf32, #tpu.memory_space<vmem>>[vector<16xi32>], vector<16xf32>,
      %add3A_311 = arith.addf %add3A_304, %gather3A_310 : vector<16xf32>
      %gather3A_312 = tpu.vector_load_idx %arg11[%add3A_307] : memref<6400xf32, #tpu.memory_space<vmem>>[vector<16xi32>], vector<16xf32>,
      %add3A_313 = arith.addf %add3A_306, %gather3A_312 : vector<16xf32>
      %add3A_314 = arith.addi %add3A_307, %broadcast_in_dim3A_68 : vector<16xi32>
      %scan3A_315 = arith.constant 4 : i32
      %scan3A_316 = arith.addi %scan3A_286, %scan3A_315 : i32
      %gather3A_317 = tpu.vector_load_idx %arg10[%add3A_314] : memref<6400xf32, #tpu.memory_space<vmem>>[vector<16xi32>], vector<16xf32>,
      %add3A_318 = arith.addf %add3A_311, %gather3A_317 : vector<16xf32>
      %gather3A_319 = tpu.vector_load_idx %arg11[%add3A_314] : memref<6400xf32, #tpu.memory_space<vmem>>[vector<16xi32>], vector<16xf32>,
      %add3A_320 = arith.addf %add3A_313, %gather3A_319 : vector<16xf32>
      %add3A_321 = arith.addi %add3A_314, %broadcast_in_dim3A_68 : vector<16xi32>
      %scan3A_322 = arith.constant 5 : i32
      %scan3A_323 = arith.addi %scan3A_286, %scan3A_322 : i32
      %gather3A_324 = tpu.vector_load_idx %arg10[%add3A_321] : memref<6400xf32, #tpu.memory_space<vmem>>[vector<16xi32>], vector<16xf32>,
      %add3A_325 = arith.addf %add3A_318, %gather3A_324 : vector<16xf32>
      %gather3A_326 = tpu.vector_load_idx %arg11[%add3A_321] : memref<6400xf32, #tpu.memory_space<vmem>>[vector<16xi32>], vector<16xf32>,
      %add3A_327 = arith.addf %add3A_320, %gather3A_326 : vector<16xf32>
      %add3A_328 = arith.addi %add3A_321, %broadcast_in_dim3A_68 : vector<16xi32>
      %scan3A_329 = arith.constant 6 : i32
      %scan3A_330 = arith.addi %scan3A_286, %scan3A_329 : i32
      %gather3A_331 = tpu.vector_load_idx %arg10[%add3A_328] : memref<6400xf32, #tpu.memory_space<vmem>>[vector<16xi32>], vector<16xf32>,
      %add3A_332 = arith.addf %add3A_325, %gather3A_331 : vector<16xf32>
      %gather3A_333 = tpu.vector_load_idx %arg11[%add3A_328] : memref<6400xf32, #tpu.memory_space<vmem>>[vector<16xi32>], vector<16xf32>,
      %add3A_334 = arith.addf %add3A_327, %gather3A_333 : vector<16xf32>
      %add3A_335 = arith.addi %add3A_328, %broadcast_in_dim3A_68 : vector<16xi32>
      %scan3A_336 = arith.constant 7 : i32
      %scan3A_337 = arith.addi %scan3A_286, %scan3A_336 : i32
      %gather3A_338 = tpu.vector_load_idx %arg10[%add3A_335] : memref<6400xf32, #tpu.memory_space<vmem>>[vector<16xi32>], vector<16xf32>,
      %add3A_339 = arith.addf %add3A_332, %gather3A_338 : vector<16xf32>
      %gather3A_340 = tpu.vector_load_idx %arg11[%add3A_335] : memref<6400xf32, #tpu.memory_space<vmem>>[vector<16xi32>], vector<16xf32>,
      %add3A_341 = arith.addf %add3A_334, %gather3A_340 : vector<16xf32>
      %add3A_342 = arith.addi %add3A_335, %broadcast_in_dim3A_68 : vector<16xi32>
      %scan3A_343 = arith.constant 8 : i32
      %scan3A_344 = arith.addi %scan3A_286, %scan3A_343 : i32
      %gather3A_345 = tpu.vector_load_idx %arg10[%add3A_342] : memref<6400xf32, #tpu.memory_space<vmem>>[vector<16xi32>], vector<16xf32>,
      %add3A_346 = arith.addf %add3A_339, %gather3A_345 : vector<16xf32>
      %gather3A_347 = tpu.vector_load_idx %arg11[%add3A_342] : memref<6400xf32, #tpu.memory_space<vmem>>[vector<16xi32>], vector<16xf32>,
      %add3A_348 = arith.addf %add3A_341, %gather3A_347 : vector<16xf32>
      %add3A_349 = arith.addi %add3A_342, %broadcast_in_dim3A_68 : vector<16xi32>
      %scan3A_350 = arith.constant 9 : i32
      %scan3A_351 = arith.addi %scan3A_286, %scan3A_350 : i32
      %gather3A_352 = tpu.vector_load_idx %arg10[%add3A_349] : memref<6400xf32, #tpu.memory_space<vmem>>[vector<16xi32>], vector<16xf32>,
      %add3A_353 = arith.addf %add3A_346, %gather3A_352 : vector<16xf32>
      %gather3A_354 = tpu.vector_load_idx %arg11[%add3A_349] : memref<6400xf32, #tpu.memory_space<vmem>>[vector<16xi32>], vector<16xf32>,
      %add3A_355 = arith.addf %add3A_348, %gather3A_354 : vector<16xf32>
      %add3A_356 = arith.addi %add3A_349, %broadcast_in_dim3A_68 : vector<16xi32>
      scf.yield %add3A_353, %add3A_355, %add3A_356 : vector<16xf32>, vector<16xf32>, vector<16xi32>
    }
    %scan3A_161 = arith.constant 50 : i32
    %add3A_162 = arith.addf %scan3A_160#0, %scan3A_160#1 : vector<16xf32>
    %add3A_163 = arith.addf %add3A_162, %get3A_65 : vector<16xf32>
    %neg3A_164 = arith.constant 0.000000e+00 : f32
    %neg3A_165 = vector.broadcast %neg3A_164 : f32 to vector<16xf32>
    %neg3A_166 = arith.subf %neg3A_165, %add3A_163 : vector<16xf32>
    %exp3A_167 = math.exp %neg3A_166 : vector<16xf32>
    %add3A_168 = arith.constant 1.000000e+00 : f32
    %add3A_169 = vector.broadcast %add3A_168 : f32 to vector<16xf32>
    %add3A_170 = arith.addf %add3A_169, %exp3A_167 : vector<16xf32>
    %div3A_171 = arith.constant 1.000000e+00 : f32
    %div3A_172 = vector.broadcast %div3A_171 : f32 to vector<16xf32>
    %div3A_173 = arith.divf %div3A_172, %add3A_170 : vector<16xf32>
    %swap3A_174 = arith.constant 48 : index
    %swap3A_175 = tpu.vector_load %arg12[%swap3A_174] {strides = array<i32>} : memref<128xf32, #tpu.memory_space<vmem>>, vector<16xf32>,
    tpu.vector_store %arg12[%swap3A_174], %div3A_173 {strides = array<i32>} : memref<128xf32, #tpu.memory_space<vmem>>, vector<16xf32>,
    %dma_wait3A_176 = arith.constant 0 : i32
    %dma_wait3A_177 = tpu.memref_slice %arg10[%dma_wait3A_176] : memref<6400xf32, #tpu.memory_space<vmem>> -> memref<3200xf32, #tpu.memory_space<vmem>>
    %dma_wait3A_178 = arith.constant 0 : i32
    %dma_wait3A_179 = tpu.memref_slice %arg4[%dma_wait3A_178] : memref<100000xf32, #tpu.memory_space<hbm>> -> memref<3200xf32, #tpu.memory_space<hbm>>
    %dma_wait3A_180 = arith.constant 0 : i32
    %dma_wait3A_181 = tpu.memref_slice %arg10[%dma_wait3A_180] : memref<6400xf32, #tpu.memory_space<vmem>> -> memref<3200xf32, #tpu.memory_space<vmem>>
    %dma_wait3A_182 = arith.constant 0 : i32
    %dma_wait3A_183 = tpu.memref_slice %arg4[%dma_wait3A_182] : memref<100000xf32, #tpu.memory_space<hbm>> -> memref<3200xf32, #tpu.memory_space<hbm>>
    tpu.wait_dma2 semaphore(%arg19 : memref<!tpu.dma_semaphore, #tpu.memory_space<semaphore_mem>>) src(%dma_wait3A_183 : memref<3200xf32, #tpu.memory_space<hbm>>) dst(%dma_wait3A_181 : memref<3200xf32, #tpu.memory_space<vmem>>)
    %dma_wait3A_184 = arith.constant 0 : i32
    %dma_wait3A_185 = tpu.memref_slice %arg10[%dma_wait3A_184] : memref<6400xf32, #tpu.memory_space<vmem>> -> memref<3200xf32, #tpu.memory_space<vmem>>
    %dma_wait3A_186 = arith.constant 0 : i32
    %dma_wait3A_187 = tpu.memref_slice %arg4[%dma_wait3A_186] : memref<100000xf32, #tpu.memory_space<hbm>> -> memref<3200xf32, #tpu.memory_space<hbm>>
    %dma_wait3A_188 = arith.constant 0 : i32
    %dma_wait3A_189 = tpu.memref_slice %arg10[%dma_wait3A_188] : memref<6400xf32, #tpu.memory_space<vmem>> -> memref<3200xf32, #tpu.memory_space<vmem>>
    %dma_wait3A_190 = arith.constant 0 : i32
    %dma_wait3A_191 = tpu.memref_slice %arg4[%dma_wait3A_190] : memref<100000xf32, #tpu.memory_space<hbm>> -> memref<3200xf32, #tpu.memory_space<hbm>>
    tpu.wait_dma2 semaphore(%arg20 : memref<!tpu.dma_semaphore, #tpu.memory_space<semaphore_mem>>) src(%dma_wait3A_191 : memref<3200xf32, #tpu.memory_space<hbm>>) dst(%dma_wait3A_189 : memref<3200xf32, #tpu.memory_space<vmem>>)
    %add3A_192 = arith.constant 3200 : i32
    %add3A_193 = vector.broadcast %add3A_192 : i32 to vector<16xi32>
    %add3A_194 = arith.addi %mul3A_71, %add3A_193 : vector<16xi32>
    %scan3A_195 = arith.constant 0 : i32
    %scan3A_196 = arith.constant 50 : i32
    %scan3A_197 = arith.addi %scan3A_195, %scan3A_196 : i32
    %scan3A_198 = arith.constant 10 : i32
    %scan3A_199:3 = scf.for %scan3A_286 = %scan3A_195 to %scan3A_197 step %scan3A_198 iter_args(%scan3A_287 = %broadcast_in_dim3A_66, %scan3A_288 = %broadcast_in_dim3A_66, %scan3A_289 = %add3A_194) -> (vector<16xf32>, vector<16xf32>, vector<16xi32>)  : i32 {
      %gather3A = tpu.vector_load_idx %arg10[%scan3A_289] : memref<6400xf32, #tpu.memory_space<vmem>>[vector<16xi32>], vector<16xf32>,
      %add3A_290 = arith.addf %scan3A_287, %gather3A : vector<16xf32>
      %gather3A_291 = tpu.vector_load_idx %arg11[%scan3A_289] : memref<6400xf32, #tpu.memory_space<vmem>>[vector<16xi32>], vector<16xf32>,
      %add3A_292 = arith.addf %scan3A_288, %gather3A_291 : vector<16xf32>
      %add3A_293 = arith.addi %scan3A_289, %broadcast_in_dim3A_68 : vector<16xi32>
      %scan3A_294 = arith.constant 1 : i32
      %scan3A_295 = arith.addi %scan3A_286, %scan3A_294 : i32
      %gather3A_296 = tpu.vector_load_idx %arg10[%add3A_293] : memref<6400xf32, #tpu.memory_space<vmem>>[vector<16xi32>], vector<16xf32>,
      %add3A_297 = arith.addf %add3A_290, %gather3A_296 : vector<16xf32>
      %gather3A_298 = tpu.vector_load_idx %arg11[%add3A_293] : memref<6400xf32, #tpu.memory_space<vmem>>[vector<16xi32>], vector<16xf32>,
      %add3A_299 = arith.addf %add3A_292, %gather3A_298 : vector<16xf32>
      %add3A_300 = arith.addi %add3A_293, %broadcast_in_dim3A_68 : vector<16xi32>
      %scan3A_301 = arith.constant 2 : i32
      %scan3A_302 = arith.addi %scan3A_286, %scan3A_301 : i32
      %gather3A_303 = tpu.vector_load_idx %arg10[%add3A_300] : memref<6400xf32, #tpu.memory_space<vmem>>[vector<16xi32>], vector<16xf32>,
      %add3A_304 = arith.addf %add3A_297, %gather3A_303 : vector<16xf32>
      %gather3A_305 = tpu.vector_load_idx %arg11[%add3A_300] : memref<6400xf32, #tpu.memory_space<vmem>>[vector<16xi32>], vector<16xf32>,
      %add3A_306 = arith.addf %add3A_299, %gather3A_305 : vector<16xf32>
      %add3A_307 = arith.addi %add3A_300, %broadcast_in_dim3A_68 : vector<16xi32>
      %scan3A_308 = arith.constant 3 : i32
      %scan3A_309 = arith.addi %scan3A_286, %scan3A_308 : i32
      %gather3A_310 = tpu.vector_load_idx %arg10[%add3A_307] : memref<6400xf32, #tpu.memory_space<vmem>>[vector<16xi32>], vector<16xf32>,
      %add3A_311 = arith.addf %add3A_304, %gather3A_310 : vector<16xf32>
      %gather3A_312 = tpu.vector_load_idx %arg11[%add3A_307] : memref<6400xf32, #tpu.memory_space<vmem>>[vector<16xi32>], vector<16xf32>,
      %add3A_313 = arith.addf %add3A_306, %gather3A_312 : vector<16xf32>
      %add3A_314 = arith.addi %add3A_307, %broadcast_in_dim3A_68 : vector<16xi32>
      %scan3A_315 = arith.constant 4 : i32
      %scan3A_316 = arith.addi %scan3A_286, %scan3A_315 : i32
      %gather3A_317 = tpu.vector_load_idx %arg10[%add3A_314] : memref<6400xf32, #tpu.memory_space<vmem>>[vector<16xi32>], vector<16xf32>,
      %add3A_318 = arith.addf %add3A_311, %gather3A_317 : vector<16xf32>
      %gather3A_319 = tpu.vector_load_idx %arg11[%add3A_314] : memref<6400xf32, #tpu.memory_space<vmem>>[vector<16xi32>], vector<16xf32>,
      %add3A_320 = arith.addf %add3A_313, %gather3A_319 : vector<16xf32>
      %add3A_321 = arith.addi %add3A_314, %broadcast_in_dim3A_68 : vector<16xi32>
      %scan3A_322 = arith.constant 5 : i32
      %scan3A_323 = arith.addi %scan3A_286, %scan3A_322 : i32
      %gather3A_324 = tpu.vector_load_idx %arg10[%add3A_321] : memref<6400xf32, #tpu.memory_space<vmem>>[vector<16xi32>], vector<16xf32>,
      %add3A_325 = arith.addf %add3A_318, %gather3A_324 : vector<16xf32>
      %gather3A_326 = tpu.vector_load_idx %arg11[%add3A_321] : memref<6400xf32, #tpu.memory_space<vmem>>[vector<16xi32>], vector<16xf32>,
      %add3A_327 = arith.addf %add3A_320, %gather3A_326 : vector<16xf32>
      %add3A_328 = arith.addi %add3A_321, %broadcast_in_dim3A_68 : vector<16xi32>
      %scan3A_329 = arith.constant 6 : i32
      %scan3A_330 = arith.addi %scan3A_286, %scan3A_329 : i32
      %gather3A_331 = tpu.vector_load_idx %arg10[%add3A_328] : memref<6400xf32, #tpu.memory_space<vmem>>[vector<16xi32>], vector<16xf32>,
      %add3A_332 = arith.addf %add3A_325, %gather3A_331 : vector<16xf32>
      %gather3A_333 = tpu.vector_load_idx %arg11[%add3A_328] : memref<6400xf32, #tpu.memory_space<vmem>>[vector<16xi32>], vector<16xf32>,
      %add3A_334 = arith.addf %add3A_327, %gather3A_333 : vector<16xf32>
      %add3A_335 = arith.addi %add3A_328, %broadcast_in_dim3A_68 : vector<16xi32>
      %scan3A_336 = arith.constant 7 : i32
      %scan3A_337 = arith.addi %scan3A_286, %scan3A_336 : i32
      %gather3A_338 = tpu.vector_load_idx %arg10[%add3A_335] : memref<6400xf32, #tpu.memory_space<vmem>>[vector<16xi32>], vector<16xf32>,
      %add3A_339 = arith.addf %add3A_332, %gather3A_338 : vector<16xf32>
      %gather3A_340 = tpu.vector_load_idx %arg11[%add3A_335] : memref<6400xf32, #tpu.memory_space<vmem>>[vector<16xi32>], vector<16xf32>,
      %add3A_341 = arith.addf %add3A_334, %gather3A_340 : vector<16xf32>
      %add3A_342 = arith.addi %add3A_335, %broadcast_in_dim3A_68 : vector<16xi32>
      %scan3A_343 = arith.constant 8 : i32
      %scan3A_344 = arith.addi %scan3A_286, %scan3A_343 : i32
      %gather3A_345 = tpu.vector_load_idx %arg10[%add3A_342] : memref<6400xf32, #tpu.memory_space<vmem>>[vector<16xi32>], vector<16xf32>,
      %add3A_346 = arith.addf %add3A_339, %gather3A_345 : vector<16xf32>
      %gather3A_347 = tpu.vector_load_idx %arg11[%add3A_342] : memref<6400xf32, #tpu.memory_space<vmem>>[vector<16xi32>], vector<16xf32>,
      %add3A_348 = arith.addf %add3A_341, %gather3A_347 : vector<16xf32>
      %add3A_349 = arith.addi %add3A_342, %broadcast_in_dim3A_68 : vector<16xi32>
      %scan3A_350 = arith.constant 9 : i32
      %scan3A_351 = arith.addi %scan3A_286, %scan3A_350 : i32
      %gather3A_352 = tpu.vector_load_idx %arg10[%add3A_349] : memref<6400xf32, #tpu.memory_space<vmem>>[vector<16xi32>], vector<16xf32>,
      %add3A_353 = arith.addf %add3A_346, %gather3A_352 : vector<16xf32>
      %gather3A_354 = tpu.vector_load_idx %arg11[%add3A_349] : memref<6400xf32, #tpu.memory_space<vmem>>[vector<16xi32>], vector<16xf32>,
      %add3A_355 = arith.addf %add3A_348, %gather3A_354 : vector<16xf32>
      %add3A_356 = arith.addi %add3A_349, %broadcast_in_dim3A_68 : vector<16xi32>
      scf.yield %add3A_353, %add3A_355, %add3A_356 : vector<16xf32>, vector<16xf32>, vector<16xi32>
    }
    %scan3A_200 = arith.constant 50 : i32
    %add3A_201 = arith.addf %scan3A_199#0, %scan3A_199#1 : vector<16xf32>
    %add3A_202 = arith.addf %add3A_201, %get3A_65 : vector<16xf32>
    %neg3A_203 = arith.constant 0.000000e+00 : f32
    %neg3A_204 = vector.broadcast %neg3A_203 : f32 to vector<16xf32>
    %neg3A_205 = arith.subf %neg3A_204, %add3A_202 : vector<16xf32>
    %exp3A_206 = math.exp %neg3A_205 : vector<16xf32>
    %add3A_207 = arith.constant 1.000000e+00 : f32
    %add3A_208 = vector.broadcast %add3A_207 : f32 to vector<16xf32>
    %add3A_209 = arith.addf %add3A_208, %exp3A_206 : vector<16xf32>
    %div3A_210 = arith.constant 1.000000e+00 : f32
    %div3A_211 = vector.broadcast %div3A_210 : f32 to vector<16xf32>
    %div3A_212 = arith.divf %div3A_211, %add3A_209 : vector<16xf32>
    %swap3A_213 = arith.constant 64 : index
    %swap3A_214 = tpu.vector_load %arg12[%swap3A_213] {strides = array<i32>} : memref<128xf32, #tpu.memory_space<vmem>>, vector<16xf32>,
    tpu.vector_store %arg12[%swap3A_213], %div3A_212 {strides = array<i32>} : memref<128xf32, #tpu.memory_space<vmem>>, vector<16xf32>,
    %add3A_215 = arith.constant 4000 : i32
    %add3A_216 = vector.broadcast %add3A_215 : i32 to vector<16xi32>
    %add3A_217 = arith.addi %mul3A_71, %add3A_216 : vector<16xi32>
    %scan3A_218 = arith.constant 0 : i32
    %scan3A_219 = arith.constant 50 : i32
    %scan3A_220 = arith.addi %scan3A_218, %scan3A_219 : i32
    %scan3A_221 = arith.constant 10 : i32
    %scan3A_222:3 = scf.for %scan3A_286 = %scan3A_218 to %scan3A_220 step %scan3A_221 iter_args(%scan3A_287 = %broadcast_in_dim3A_66, %scan3A_288 = %broadcast_in_dim3A_66, %scan3A_289 = %add3A_217) -> (vector<16xf32>, vector<16xf32>, vector<16xi32>)  : i32 {
      %gather3A = tpu.vector_load_idx %arg10[%scan3A_289] : memref<6400xf32, #tpu.memory_space<vmem>>[vector<16xi32>], vector<16xf32>,
      %add3A_290 = arith.addf %scan3A_287, %gather3A : vector<16xf32>
      %gather3A_291 = tpu.vector_load_idx %arg11[%scan3A_289] : memref<6400xf32, #tpu.memory_space<vmem>>[vector<16xi32>], vector<16xf32>,
      %add3A_292 = arith.addf %scan3A_288, %gather3A_291 : vector<16xf32>
      %add3A_293 = arith.addi %scan3A_289, %broadcast_in_dim3A_68 : vector<16xi32>
      %scan3A_294 = arith.constant 1 : i32
      %scan3A_295 = arith.addi %scan3A_286, %scan3A_294 : i32
      %gather3A_296 = tpu.vector_load_idx %arg10[%add3A_293] : memref<6400xf32, #tpu.memory_space<vmem>>[vector<16xi32>], vector<16xf32>,
      %add3A_297 = arith.addf %add3A_290, %gather3A_296 : vector<16xf32>
      %gather3A_298 = tpu.vector_load_idx %arg11[%add3A_293] : memref<6400xf32, #tpu.memory_space<vmem>>[vector<16xi32>], vector<16xf32>,
      %add3A_299 = arith.addf %add3A_292, %gather3A_298 : vector<16xf32>
      %add3A_300 = arith.addi %add3A_293, %broadcast_in_dim3A_68 : vector<16xi32>
      %scan3A_301 = arith.constant 2 : i32
      %scan3A_302 = arith.addi %scan3A_286, %scan3A_301 : i32
      %gather3A_303 = tpu.vector_load_idx %arg10[%add3A_300] : memref<6400xf32, #tpu.memory_space<vmem>>[vector<16xi32>], vector<16xf32>,
      %add3A_304 = arith.addf %add3A_297, %gather3A_303 : vector<16xf32>
      %gather3A_305 = tpu.vector_load_idx %arg11[%add3A_300] : memref<6400xf32, #tpu.memory_space<vmem>>[vector<16xi32>], vector<16xf32>,
      %add3A_306 = arith.addf %add3A_299, %gather3A_305 : vector<16xf32>
      %add3A_307 = arith.addi %add3A_300, %broadcast_in_dim3A_68 : vector<16xi32>
      %scan3A_308 = arith.constant 3 : i32
      %scan3A_309 = arith.addi %scan3A_286, %scan3A_308 : i32
      %gather3A_310 = tpu.vector_load_idx %arg10[%add3A_307] : memref<6400xf32, #tpu.memory_space<vmem>>[vector<16xi32>], vector<16xf32>,
      %add3A_311 = arith.addf %add3A_304, %gather3A_310 : vector<16xf32>
      %gather3A_312 = tpu.vector_load_idx %arg11[%add3A_307] : memref<6400xf32, #tpu.memory_space<vmem>>[vector<16xi32>], vector<16xf32>,
      %add3A_313 = arith.addf %add3A_306, %gather3A_312 : vector<16xf32>
      %add3A_314 = arith.addi %add3A_307, %broadcast_in_dim3A_68 : vector<16xi32>
      %scan3A_315 = arith.constant 4 : i32
      %scan3A_316 = arith.addi %scan3A_286, %scan3A_315 : i32
      %gather3A_317 = tpu.vector_load_idx %arg10[%add3A_314] : memref<6400xf32, #tpu.memory_space<vmem>>[vector<16xi32>], vector<16xf32>,
      %add3A_318 = arith.addf %add3A_311, %gather3A_317 : vector<16xf32>
      %gather3A_319 = tpu.vector_load_idx %arg11[%add3A_314] : memref<6400xf32, #tpu.memory_space<vmem>>[vector<16xi32>], vector<16xf32>,
      %add3A_320 = arith.addf %add3A_313, %gather3A_319 : vector<16xf32>
      %add3A_321 = arith.addi %add3A_314, %broadcast_in_dim3A_68 : vector<16xi32>
      %scan3A_322 = arith.constant 5 : i32
      %scan3A_323 = arith.addi %scan3A_286, %scan3A_322 : i32
      %gather3A_324 = tpu.vector_load_idx %arg10[%add3A_321] : memref<6400xf32, #tpu.memory_space<vmem>>[vector<16xi32>], vector<16xf32>,
      %add3A_325 = arith.addf %add3A_318, %gather3A_324 : vector<16xf32>
      %gather3A_326 = tpu.vector_load_idx %arg11[%add3A_321] : memref<6400xf32, #tpu.memory_space<vmem>>[vector<16xi32>], vector<16xf32>,
      %add3A_327 = arith.addf %add3A_320, %gather3A_326 : vector<16xf32>
      %add3A_328 = arith.addi %add3A_321, %broadcast_in_dim3A_68 : vector<16xi32>
      %scan3A_329 = arith.constant 6 : i32
      %scan3A_330 = arith.addi %scan3A_286, %scan3A_329 : i32
      %gather3A_331 = tpu.vector_load_idx %arg10[%add3A_328] : memref<6400xf32, #tpu.memory_space<vmem>>[vector<16xi32>], vector<16xf32>,
      %add3A_332 = arith.addf %add3A_325, %gather3A_331 : vector<16xf32>
      %gather3A_333 = tpu.vector_load_idx %arg11[%add3A_328] : memref<6400xf32, #tpu.memory_space<vmem>>[vector<16xi32>], vector<16xf32>,
      %add3A_334 = arith.addf %add3A_327, %gather3A_333 : vector<16xf32>
      %add3A_335 = arith.addi %add3A_328, %broadcast_in_dim3A_68 : vector<16xi32>
      %scan3A_336 = arith.constant 7 : i32
      %scan3A_337 = arith.addi %scan3A_286, %scan3A_336 : i32
      %gather3A_338 = tpu.vector_load_idx %arg10[%add3A_335] : memref<6400xf32, #tpu.memory_space<vmem>>[vector<16xi32>], vector<16xf32>,
      %add3A_339 = arith.addf %add3A_332, %gather3A_338 : vector<16xf32>
      %gather3A_340 = tpu.vector_load_idx %arg11[%add3A_335] : memref<6400xf32, #tpu.memory_space<vmem>>[vector<16xi32>], vector<16xf32>,
      %add3A_341 = arith.addf %add3A_334, %gather3A_340 : vector<16xf32>
      %add3A_342 = arith.addi %add3A_335, %broadcast_in_dim3A_68 : vector<16xi32>
      %scan3A_343 = arith.constant 8 : i32
      %scan3A_344 = arith.addi %scan3A_286, %scan3A_343 : i32
      %gather3A_345 = tpu.vector_load_idx %arg10[%add3A_342] : memref<6400xf32, #tpu.memory_space<vmem>>[vector<16xi32>], vector<16xf32>,
      %add3A_346 = arith.addf %add3A_339, %gather3A_345 : vector<16xf32>
      %gather3A_347 = tpu.vector_load_idx %arg11[%add3A_342] : memref<6400xf32, #tpu.memory_space<vmem>>[vector<16xi32>], vector<16xf32>,
      %add3A_348 = arith.addf %add3A_341, %gather3A_347 : vector<16xf32>
      %add3A_349 = arith.addi %add3A_342, %broadcast_in_dim3A_68 : vector<16xi32>
      %scan3A_350 = arith.constant 9 : i32
      %scan3A_351 = arith.addi %scan3A_286, %scan3A_350 : i32
      %gather3A_352 = tpu.vector_load_idx %arg10[%add3A_349] : memref<6400xf32, #tpu.memory_space<vmem>>[vector<16xi32>], vector<16xf32>,
      %add3A_353 = arith.addf %add3A_346, %gather3A_352 : vector<16xf32>
      %gather3A_354 = tpu.vector_load_idx %arg11[%add3A_349] : memref<6400xf32, #tpu.memory_space<vmem>>[vector<16xi32>], vector<16xf32>,
      %add3A_355 = arith.addf %add3A_348, %gather3A_354 : vector<16xf32>
      %add3A_356 = arith.addi %add3A_349, %broadcast_in_dim3A_68 : vector<16xi32>
      scf.yield %add3A_353, %add3A_355, %add3A_356 : vector<16xf32>, vector<16xf32>, vector<16xi32>
    }
    %scan3A_223 = arith.constant 50 : i32
    %add3A_224 = arith.addf %scan3A_222#0, %scan3A_222#1 : vector<16xf32>
    %add3A_225 = arith.addf %add3A_224, %get3A_65 : vector<16xf32>
    %neg3A_226 = arith.constant 0.000000e+00 : f32
    %neg3A_227 = vector.broadcast %neg3A_226 : f32 to vector<16xf32>
    %neg3A_228 = arith.subf %neg3A_227, %add3A_225 : vector<16xf32>
    %exp3A_229 = math.exp %neg3A_228 : vector<16xf32>
    %add3A_230 = arith.constant 1.000000e+00 : f32
    %add3A_231 = vector.broadcast %add3A_230 : f32 to vector<16xf32>
    %add3A_232 = arith.addf %add3A_231, %exp3A_229 : vector<16xf32>
    %div3A_233 = arith.constant 1.000000e+00 : f32
    %div3A_234 = vector.broadcast %div3A_233 : f32 to vector<16xf32>
    %div3A_235 = arith.divf %div3A_234, %add3A_232 : vector<16xf32>
    %swap3A_236 = arith.constant 80 : index
    %swap3A_237 = tpu.vector_load %arg12[%swap3A_236] {strides = array<i32>} : memref<128xf32, #tpu.memory_space<vmem>>, vector<16xf32>,
    tpu.vector_store %arg12[%swap3A_236], %div3A_235 {strides = array<i32>} : memref<128xf32, #tpu.memory_space<vmem>>, vector<16xf32>,
    %add3A_238 = arith.constant 4800 : i32
    %add3A_239 = vector.broadcast %add3A_238 : i32 to vector<16xi32>
    %add3A_240 = arith.addi %mul3A_71, %add3A_239 : vector<16xi32>
    %scan3A_241 = arith.constant 0 : i32
    %scan3A_242 = arith.constant 50 : i32
    %scan3A_243 = arith.addi %scan3A_241, %scan3A_242 : i32
    %scan3A_244 = arith.constant 10 : i32
    %scan3A_245:3 = scf.for %scan3A_286 = %scan3A_241 to %scan3A_243 step %scan3A_244 iter_args(%scan3A_287 = %broadcast_in_dim3A_66, %scan3A_288 = %broadcast_in_dim3A_66, %scan3A_289 = %add3A_240) -> (vector<16xf32>, vector<16xf32>, vector<16xi32>)  : i32 {
      %gather3A = tpu.vector_load_idx %arg10[%scan3A_289] : memref<6400xf32, #tpu.memory_space<vmem>>[vector<16xi32>], vector<16xf32>,
      %add3A_290 = arith.addf %scan3A_287, %gather3A : vector<16xf32>
      %gather3A_291 = tpu.vector_load_idx %arg11[%scan3A_289] : memref<6400xf32, #tpu.memory_space<vmem>>[vector<16xi32>], vector<16xf32>,
      %add3A_292 = arith.addf %scan3A_288, %gather3A_291 : vector<16xf32>
      %add3A_293 = arith.addi %scan3A_289, %broadcast_in_dim3A_68 : vector<16xi32>
      %scan3A_294 = arith.constant 1 : i32
      %scan3A_295 = arith.addi %scan3A_286, %scan3A_294 : i32
      %gather3A_296 = tpu.vector_load_idx %arg10[%add3A_293] : memref<6400xf32, #tpu.memory_space<vmem>>[vector<16xi32>], vector<16xf32>,
      %add3A_297 = arith.addf %add3A_290, %gather3A_296 : vector<16xf32>
      %gather3A_298 = tpu.vector_load_idx %arg11[%add3A_293] : memref<6400xf32, #tpu.memory_space<vmem>>[vector<16xi32>], vector<16xf32>,
      %add3A_299 = arith.addf %add3A_292, %gather3A_298 : vector<16xf32>
      %add3A_300 = arith.addi %add3A_293, %broadcast_in_dim3A_68 : vector<16xi32>
      %scan3A_301 = arith.constant 2 : i32
      %scan3A_302 = arith.addi %scan3A_286, %scan3A_301 : i32
      %gather3A_303 = tpu.vector_load_idx %arg10[%add3A_300] : memref<6400xf32, #tpu.memory_space<vmem>>[vector<16xi32>], vector<16xf32>,
      %add3A_304 = arith.addf %add3A_297, %gather3A_303 : vector<16xf32>
      %gather3A_305 = tpu.vector_load_idx %arg11[%add3A_300] : memref<6400xf32, #tpu.memory_space<vmem>>[vector<16xi32>], vector<16xf32>,
      %add3A_306 = arith.addf %add3A_299, %gather3A_305 : vector<16xf32>
      %add3A_307 = arith.addi %add3A_300, %broadcast_in_dim3A_68 : vector<16xi32>
      %scan3A_308 = arith.constant 3 : i32
      %scan3A_309 = arith.addi %scan3A_286, %scan3A_308 : i32
      %gather3A_310 = tpu.vector_load_idx %arg10[%add3A_307] : memref<6400xf32, #tpu.memory_space<vmem>>[vector<16xi32>], vector<16xf32>,
      %add3A_311 = arith.addf %add3A_304, %gather3A_310 : vector<16xf32>
      %gather3A_312 = tpu.vector_load_idx %arg11[%add3A_307] : memref<6400xf32, #tpu.memory_space<vmem>>[vector<16xi32>], vector<16xf32>,
      %add3A_313 = arith.addf %add3A_306, %gather3A_312 : vector<16xf32>
      %add3A_314 = arith.addi %add3A_307, %broadcast_in_dim3A_68 : vector<16xi32>
      %scan3A_315 = arith.constant 4 : i32
      %scan3A_316 = arith.addi %scan3A_286, %scan3A_315 : i32
      %gather3A_317 = tpu.vector_load_idx %arg10[%add3A_314] : memref<6400xf32, #tpu.memory_space<vmem>>[vector<16xi32>], vector<16xf32>,
      %add3A_318 = arith.addf %add3A_311, %gather3A_317 : vector<16xf32>
      %gather3A_319 = tpu.vector_load_idx %arg11[%add3A_314] : memref<6400xf32, #tpu.memory_space<vmem>>[vector<16xi32>], vector<16xf32>,
      %add3A_320 = arith.addf %add3A_313, %gather3A_319 : vector<16xf32>
      %add3A_321 = arith.addi %add3A_314, %broadcast_in_dim3A_68 : vector<16xi32>
      %scan3A_322 = arith.constant 5 : i32
      %scan3A_323 = arith.addi %scan3A_286, %scan3A_322 : i32
      %gather3A_324 = tpu.vector_load_idx %arg10[%add3A_321] : memref<6400xf32, #tpu.memory_space<vmem>>[vector<16xi32>], vector<16xf32>,
      %add3A_325 = arith.addf %add3A_318, %gather3A_324 : vector<16xf32>
      %gather3A_326 = tpu.vector_load_idx %arg11[%add3A_321] : memref<6400xf32, #tpu.memory_space<vmem>>[vector<16xi32>], vector<16xf32>,
      %add3A_327 = arith.addf %add3A_320, %gather3A_326 : vector<16xf32>
      %add3A_328 = arith.addi %add3A_321, %broadcast_in_dim3A_68 : vector<16xi32>
      %scan3A_329 = arith.constant 6 : i32
      %scan3A_330 = arith.addi %scan3A_286, %scan3A_329 : i32
      %gather3A_331 = tpu.vector_load_idx %arg10[%add3A_328] : memref<6400xf32, #tpu.memory_space<vmem>>[vector<16xi32>], vector<16xf32>,
      %add3A_332 = arith.addf %add3A_325, %gather3A_331 : vector<16xf32>
      %gather3A_333 = tpu.vector_load_idx %arg11[%add3A_328] : memref<6400xf32, #tpu.memory_space<vmem>>[vector<16xi32>], vector<16xf32>,
      %add3A_334 = arith.addf %add3A_327, %gather3A_333 : vector<16xf32>
      %add3A_335 = arith.addi %add3A_328, %broadcast_in_dim3A_68 : vector<16xi32>
      %scan3A_336 = arith.constant 7 : i32
      %scan3A_337 = arith.addi %scan3A_286, %scan3A_336 : i32
      %gather3A_338 = tpu.vector_load_idx %arg10[%add3A_335] : memref<6400xf32, #tpu.memory_space<vmem>>[vector<16xi32>], vector<16xf32>,
      %add3A_339 = arith.addf %add3A_332, %gather3A_338 : vector<16xf32>
      %gather3A_340 = tpu.vector_load_idx %arg11[%add3A_335] : memref<6400xf32, #tpu.memory_space<vmem>>[vector<16xi32>], vector<16xf32>,
      %add3A_341 = arith.addf %add3A_334, %gather3A_340 : vector<16xf32>
      %add3A_342 = arith.addi %add3A_335, %broadcast_in_dim3A_68 : vector<16xi32>
      %scan3A_343 = arith.constant 8 : i32
      %scan3A_344 = arith.addi %scan3A_286, %scan3A_343 : i32
      %gather3A_345 = tpu.vector_load_idx %arg10[%add3A_342] : memref<6400xf32, #tpu.memory_space<vmem>>[vector<16xi32>], vector<16xf32>,
      %add3A_346 = arith.addf %add3A_339, %gather3A_345 : vector<16xf32>
      %gather3A_347 = tpu.vector_load_idx %arg11[%add3A_342] : memref<6400xf32, #tpu.memory_space<vmem>>[vector<16xi32>], vector<16xf32>,
      %add3A_348 = arith.addf %add3A_341, %gather3A_347 : vector<16xf32>
      %add3A_349 = arith.addi %add3A_342, %broadcast_in_dim3A_68 : vector<16xi32>
      %scan3A_350 = arith.constant 9 : i32
      %scan3A_351 = arith.addi %scan3A_286, %scan3A_350 : i32
      %gather3A_352 = tpu.vector_load_idx %arg10[%add3A_349] : memref<6400xf32, #tpu.memory_space<vmem>>[vector<16xi32>], vector<16xf32>,
      %add3A_353 = arith.addf %add3A_346, %gather3A_352 : vector<16xf32>
      %gather3A_354 = tpu.vector_load_idx %arg11[%add3A_349] : memref<6400xf32, #tpu.memory_space<vmem>>[vector<16xi32>], vector<16xf32>,
      %add3A_355 = arith.addf %add3A_348, %gather3A_354 : vector<16xf32>
      %add3A_356 = arith.addi %add3A_349, %broadcast_in_dim3A_68 : vector<16xi32>
      scf.yield %add3A_353, %add3A_355, %add3A_356 : vector<16xf32>, vector<16xf32>, vector<16xi32>
    }
    %scan3A_246 = arith.constant 50 : i32
    %add3A_247 = arith.addf %scan3A_245#0, %scan3A_245#1 : vector<16xf32>
    %add3A_248 = arith.addf %add3A_247, %get3A_65 : vector<16xf32>
    %neg3A_249 = arith.constant 0.000000e+00 : f32
    %neg3A_250 = vector.broadcast %neg3A_249 : f32 to vector<16xf32>
    %neg3A_251 = arith.subf %neg3A_250, %add3A_248 : vector<16xf32>
    %exp3A_252 = math.exp %neg3A_251 : vector<16xf32>
    %add3A_253 = arith.constant 1.000000e+00 : f32
    %add3A_254 = vector.broadcast %add3A_253 : f32 to vector<16xf32>
    %add3A_255 = arith.addf %add3A_254, %exp3A_252 : vector<16xf32>
    %div3A_256 = arith.constant 1.000000e+00 : f32
    %div3A_257 = vector.broadcast %div3A_256 : f32 to vector<16xf32>
    %div3A_258 = arith.divf %div3A_257, %add3A_255 : vector<16xf32>
    %swap3A_259 = arith.constant 96 : index
    %swap3A_260 = tpu.vector_load %arg12[%swap3A_259] {strides = array<i32>} : memref<128xf32, #tpu.memory_space<vmem>>, vector<16xf32>,
    tpu.vector_store %arg12[%swap3A_259], %div3A_258 {strides = array<i32>} : memref<128xf32, #tpu.memory_space<vmem>>, vector<16xf32>,
    %add3A_261 = arith.constant 5600 : i32
    %add3A_262 = vector.broadcast %add3A_261 : i32 to vector<16xi32>
    %add3A_263 = arith.addi %mul3A_71, %add3A_262 : vector<16xi32>
    %scan3A_264 = arith.constant 0 : i32
    %scan3A_265 = arith.constant 50 : i32
    %scan3A_266 = arith.addi %scan3A_264, %scan3A_265 : i32
    %scan3A_267 = arith.constant 10 : i32
    %scan3A_268:3 = scf.for %scan3A_286 = %scan3A_264 to %scan3A_266 step %scan3A_267 iter_args(%scan3A_287 = %broadcast_in_dim3A_66, %scan3A_288 = %broadcast_in_dim3A_66, %scan3A_289 = %add3A_263) -> (vector<16xf32>, vector<16xf32>, vector<16xi32>)  : i32 {
      %gather3A = tpu.vector_load_idx %arg10[%scan3A_289] : memref<6400xf32, #tpu.memory_space<vmem>>[vector<16xi32>], vector<16xf32>,
      %add3A_290 = arith.addf %scan3A_287, %gather3A : vector<16xf32>
      %gather3A_291 = tpu.vector_load_idx %arg11[%scan3A_289] : memref<6400xf32, #tpu.memory_space<vmem>>[vector<16xi32>], vector<16xf32>,
      %add3A_292 = arith.addf %scan3A_288, %gather3A_291 : vector<16xf32>
      %add3A_293 = arith.addi %scan3A_289, %broadcast_in_dim3A_68 : vector<16xi32>
      %scan3A_294 = arith.constant 1 : i32
      %scan3A_295 = arith.addi %scan3A_286, %scan3A_294 : i32
      %gather3A_296 = tpu.vector_load_idx %arg10[%add3A_293] : memref<6400xf32, #tpu.memory_space<vmem>>[vector<16xi32>], vector<16xf32>,
      %add3A_297 = arith.addf %add3A_290, %gather3A_296 : vector<16xf32>
      %gather3A_298 = tpu.vector_load_idx %arg11[%add3A_293] : memref<6400xf32, #tpu.memory_space<vmem>>[vector<16xi32>], vector<16xf32>,
      %add3A_299 = arith.addf %add3A_292, %gather3A_298 : vector<16xf32>
      %add3A_300 = arith.addi %add3A_293, %broadcast_in_dim3A_68 : vector<16xi32>
      %scan3A_301 = arith.constant 2 : i32
      %scan3A_302 = arith.addi %scan3A_286, %scan3A_301 : i32
      %gather3A_303 = tpu.vector_load_idx %arg10[%add3A_300] : memref<6400xf32, #tpu.memory_space<vmem>>[vector<16xi32>], vector<16xf32>,
      %add3A_304 = arith.addf %add3A_297, %gather3A_303 : vector<16xf32>
      %gather3A_305 = tpu.vector_load_idx %arg11[%add3A_300] : memref<6400xf32, #tpu.memory_space<vmem>>[vector<16xi32>], vector<16xf32>,
      %add3A_306 = arith.addf %add3A_299, %gather3A_305 : vector<16xf32>
      %add3A_307 = arith.addi %add3A_300, %broadcast_in_dim3A_68 : vector<16xi32>
      %scan3A_308 = arith.constant 3 : i32
      %scan3A_309 = arith.addi %scan3A_286, %scan3A_308 : i32
      %gather3A_310 = tpu.vector_load_idx %arg10[%add3A_307] : memref<6400xf32, #tpu.memory_space<vmem>>[vector<16xi32>], vector<16xf32>,
      %add3A_311 = arith.addf %add3A_304, %gather3A_310 : vector<16xf32>
      %gather3A_312 = tpu.vector_load_idx %arg11[%add3A_307] : memref<6400xf32, #tpu.memory_space<vmem>>[vector<16xi32>], vector<16xf32>,
      %add3A_313 = arith.addf %add3A_306, %gather3A_312 : vector<16xf32>
      %add3A_314 = arith.addi %add3A_307, %broadcast_in_dim3A_68 : vector<16xi32>
      %scan3A_315 = arith.constant 4 : i32
      %scan3A_316 = arith.addi %scan3A_286, %scan3A_315 : i32
      %gather3A_317 = tpu.vector_load_idx %arg10[%add3A_314] : memref<6400xf32, #tpu.memory_space<vmem>>[vector<16xi32>], vector<16xf32>,
      %add3A_318 = arith.addf %add3A_311, %gather3A_317 : vector<16xf32>
      %gather3A_319 = tpu.vector_load_idx %arg11[%add3A_314] : memref<6400xf32, #tpu.memory_space<vmem>>[vector<16xi32>], vector<16xf32>,
      %add3A_320 = arith.addf %add3A_313, %gather3A_319 : vector<16xf32>
      %add3A_321 = arith.addi %add3A_314, %broadcast_in_dim3A_68 : vector<16xi32>
      %scan3A_322 = arith.constant 5 : i32
      %scan3A_323 = arith.addi %scan3A_286, %scan3A_322 : i32
      %gather3A_324 = tpu.vector_load_idx %arg10[%add3A_321] : memref<6400xf32, #tpu.memory_space<vmem>>[vector<16xi32>], vector<16xf32>,
      %add3A_325 = arith.addf %add3A_318, %gather3A_324 : vector<16xf32>
      %gather3A_326 = tpu.vector_load_idx %arg11[%add3A_321] : memref<6400xf32, #tpu.memory_space<vmem>>[vector<16xi32>], vector<16xf32>,
      %add3A_327 = arith.addf %add3A_320, %gather3A_326 : vector<16xf32>
      %add3A_328 = arith.addi %add3A_321, %broadcast_in_dim3A_68 : vector<16xi32>
      %scan3A_329 = arith.constant 6 : i32
      %scan3A_330 = arith.addi %scan3A_286, %scan3A_329 : i32
      %gather3A_331 = tpu.vector_load_idx %arg10[%add3A_328] : memref<6400xf32, #tpu.memory_space<vmem>>[vector<16xi32>], vector<16xf32>,
      %add3A_332 = arith.addf %add3A_325, %gather3A_331 : vector<16xf32>
      %gather3A_333 = tpu.vector_load_idx %arg11[%add3A_328] : memref<6400xf32, #tpu.memory_space<vmem>>[vector<16xi32>], vector<16xf32>,
      %add3A_334 = arith.addf %add3A_327, %gather3A_333 : vector<16xf32>
      %add3A_335 = arith.addi %add3A_328, %broadcast_in_dim3A_68 : vector<16xi32>
      %scan3A_336 = arith.constant 7 : i32
      %scan3A_337 = arith.addi %scan3A_286, %scan3A_336 : i32
      %gather3A_338 = tpu.vector_load_idx %arg10[%add3A_335] : memref<6400xf32, #tpu.memory_space<vmem>>[vector<16xi32>], vector<16xf32>,
      %add3A_339 = arith.addf %add3A_332, %gather3A_338 : vector<16xf32>
      %gather3A_340 = tpu.vector_load_idx %arg11[%add3A_335] : memref<6400xf32, #tpu.memory_space<vmem>>[vector<16xi32>], vector<16xf32>,
      %add3A_341 = arith.addf %add3A_334, %gather3A_340 : vector<16xf32>
      %add3A_342 = arith.addi %add3A_335, %broadcast_in_dim3A_68 : vector<16xi32>
      %scan3A_343 = arith.constant 8 : i32
      %scan3A_344 = arith.addi %scan3A_286, %scan3A_343 : i32
      %gather3A_345 = tpu.vector_load_idx %arg10[%add3A_342] : memref<6400xf32, #tpu.memory_space<vmem>>[vector<16xi32>], vector<16xf32>,
      %add3A_346 = arith.addf %add3A_339, %gather3A_345 : vector<16xf32>
      %gather3A_347 = tpu.vector_load_idx %arg11[%add3A_342] : memref<6400xf32, #tpu.memory_space<vmem>>[vector<16xi32>], vector<16xf32>,
      %add3A_348 = arith.addf %add3A_341, %gather3A_347 : vector<16xf32>
      %add3A_349 = arith.addi %add3A_342, %broadcast_in_dim3A_68 : vector<16xi32>
      %scan3A_350 = arith.constant 9 : i32
      %scan3A_351 = arith.addi %scan3A_286, %scan3A_350 : i32
      %gather3A_352 = tpu.vector_load_idx %arg10[%add3A_349] : memref<6400xf32, #tpu.memory_space<vmem>>[vector<16xi32>], vector<16xf32>,
      %add3A_353 = arith.addf %add3A_346, %gather3A_352 : vector<16xf32>
      %gather3A_354 = tpu.vector_load_idx %arg11[%add3A_349] : memref<6400xf32, #tpu.memory_space<vmem>>[vector<16xi32>], vector<16xf32>,
      %add3A_355 = arith.addf %add3A_348, %gather3A_354 : vector<16xf32>
      %add3A_356 = arith.addi %add3A_349, %broadcast_in_dim3A_68 : vector<16xi32>
      scf.yield %add3A_353, %add3A_355, %add3A_356 : vector<16xf32>, vector<16xf32>, vector<16xi32>
    }
    %scan3A_269 = arith.constant 50 : i32
    %add3A_270 = arith.addf %scan3A_268#0, %scan3A_268#1 : vector<16xf32>
    %add3A_271 = arith.addf %add3A_270, %get3A_65 : vector<16xf32>
    %neg3A_272 = arith.constant 0.000000e+00 : f32
    %neg3A_273 = vector.broadcast %neg3A_272 : f32 to vector<16xf32>
    %neg3A_274 = arith.subf %neg3A_273, %add3A_271 : vector<16xf32>
    %exp3A_275 = math.exp %neg3A_274 : vector<16xf32>
    %add3A_276 = arith.constant 1.000000e+00 : f32
    %add3A_277 = vector.broadcast %add3A_276 : f32 to vector<16xf32>
    %add3A_278 = arith.addf %add3A_277, %exp3A_275 : vector<16xf32>
    %div3A_279 = arith.constant 1.000000e+00 : f32
    %div3A_280 = vector.broadcast %div3A_279 : f32 to vector<16xf32>
    %div3A_281 = arith.divf %div3A_280, %add3A_278 : vector<16xf32>
    %swap3A_282 = arith.constant 112 : index
    %swap3A_283 = tpu.vector_load %arg12[%swap3A_282] {strides = array<i32>} : memref<128xf32, #tpu.memory_space<vmem>>, vector<16xf32>,
    tpu.vector_store %arg12[%swap3A_282], %div3A_281 {strides = array<i32>} : memref<128xf32, #tpu.memory_space<vmem>>, vector<16xf32>,
    %mul3A_284 = arith.constant 128 : i32
    %mul3A_285 = arith.muli %add3A, %mul3A_284 : i32
    "tpu.region"() ({
      %run_scoped3A = tpu.sem_alloc : memref<!tpu.dma_semaphore, #tpu.memory_space<semaphore_mem>>
      %dma_start3A_286 = tpu.memref_slice %arg7[%mul3A_285] : memref<4096xf32, #tpu.memory_space<hbm>> -> memref<128xf32, #tpu.memory_space<hbm>>
      %dma_start3A_287 = tpu.memref_slice %arg7[%mul3A_285] : memref<4096xf32, #tpu.memory_space<hbm>> -> memref<128xf32, #tpu.memory_space<hbm>>
      tpu.enqueue_dma source(%arg12 : memref<128xf32, #tpu.memory_space<vmem>>) target(%dma_start3A_287 : memref<128xf32, #tpu.memory_space<hbm>>) target_semaphore(%run_scoped3A : memref<!tpu.dma_semaphore, #tpu.memory_space<semaphore_mem>>)
      %dma_wait3A_288 = tpu.memref_slice %arg7[%mul3A_285] : memref<4096xf32, #tpu.memory_space<hbm>> -> memref<128xf32, #tpu.memory_space<hbm>>
      %dma_wait3A_289 = tpu.memref_slice %arg7[%mul3A_285] : memref<4096xf32, #tpu.memory_space<hbm>> -> memref<128xf32, #tpu.memory_space<hbm>>
      tpu.wait_dma2 semaphore(%run_scoped3A : memref<!tpu.dma_semaphore, #tpu.memory_space<semaphore_mem>>) src(%arg12 : memref<128xf32, #tpu.memory_space<vmem>>) dst(%dma_wait3A_289 : memref<128xf32, #tpu.memory_space<hbm>>)
      tpu.yield
    }) : () -> ()
    return
  }
}

</mosaic_0001>

<sc_bundles>
// kernel: kernel.3.cloned.1.call-start
scs
__scs_entry_jumppad:
0x0: {  	(pc) =	sbr.rel $0x88, $3  }
0x1: {  	(tag) =	ssettag $0x0;
	lr =	simm.s32 $0x1  }
0x2: {  	[smem:$0x3F9C] =	sst lr;
	_ =	strace $0xD0000000  }
0x3: {  	_ = 	snop  }
0x4: {  	_ = 	snop  }
0x5: {  	_ = 	snop  }
0x6: {  	_ = 	snop  }
0x7: {  	_ = 	snop  }
__scs_overlays_trampoline_lowered:
0x8: {  	[smem:$0x3FAB] =	sst s0  }
0x9: {  	[smem:$0x3FAC] =	sst s1  }
0xa: {  	[smem:$0x3FAD] =	sst s2  }
0xb: {  	[smem:$0x3FAE] =	sst s3  }
0xc: {  	[smem:$0x3FAF] =	sst s4  }
0xd: {  	[smem:$0x3FB0] =	sst s5  }
0xe: {  	[smem:$0x3FB1] =	sst s6  }
0xf: {  	[smem:$0x3FB2] =	sst s7  }
0x10: {  	[smem:$0x3FB3] =	sst s8  }
0x11: {  	[smem:$0x3FB4] =	sst s9;
	s0 =	simm.s32 @!p0 $0x0  }
0x12: {  	s1 =	sld [smem:$0x3F9A];
	s0 =	simm.s32 @p0 $0x1  }
0x13: {  	[smem:$0x3FB5] =	sst s0;
	s0 =	simm.s32 @!p1 $0x0  }
0x14: {  	s2 =	sld [smem:$0x3F99];
	s0 =	simm.s32 @p1 $0x1  }
0x15: {  	[smem:$0x3FB6] =	sst s0;
	s0 =	simm.s32 @!p2 $0x0  }
0x16: {  	s3 =	sld [smem:$0x3FDB];
	s0 =	simm.s32 @p2 $0x1  }
0x17: {  	s4 =	simm.s32 $0x1BF5;
	[smem:$0x3FB8] =	sst s0  }
0x18: {  	s0 =	sld [smem:$0x3F9B];
	_ =	swait.ge [sflag:s4], $0x0  }
0x19: {  	s7 =	sld [smem:$0x3F9C]  }
0x1a: {  	s8 =	sadd.s32 $0xFFFFE003, lr  }
0x1b: {  	s9 =	sadd.s32 $0xFFFFFEF7, lr;
	s5 =	simm.s32 $0xFFFFFFFF;
	p2 =	slt.u32 s8, $0xFFFFF086  }
0x1c: {  	p1 =	slt.u32 s9, $0xF7A;
	s5 =	simm.s32 @!p2 $0x0  }
0x1d: {  	s5 =	simm.s32 @p1 $0x1;
	p0 =	seq.s32 s7, s2  }
0x1e: {  	s7 =	smul.u32 @!p0 $0xF7A, s2;
	p2 =	seq.s32 @!p0 s5, $0x0  }
0x1f: {  	s9 =	smul.u32 $0xF7A, s1;
	s8 =	simm.s32 @!p0 $0x1BF5;
	p2 =	por !p2, p0  }
0x20: {  	[sflag:s8] =	ssyncset.s32 @!p0 $0xFFFFF086;
	s6 =	sadd.s32 @!p0 s3, s7;
	s7 =	simm.s32 @!p0 $0x108  }
0x21: {  	s3 =	sadd.s32 s3, s9;
	s6 =	sadd.s32 @!p0 $0x88, s6;
	s7 =	simm.s32 @p2 $0x1082  }
0x22: {  	[simem:s7], [sflag:s8] =	dma.local @!p0 [hbm:s6], $0xF7A  }
0x23: {  	s9 =	sor.u32 $0xD0000000, s2;
	s6 =	simm.s32 $0x108;
	_ =	swait.ge @!p0 [sflag:s8], $0x0  }
0x24: {  	s3 =	sadd.s32 $0x88, s3;
	s6 =	simm.s32 @!p1 $0x1082;
	[sflag:s4] =	ssyncset.s32 $0xFFFFF086  }
0x25: {  	[simem:s6], [sflag:s4] =	dma.local [hbm:s3], $0xF7A  }
0x26: {  	[smem:$0x3F9C] =	sst s1;
	(tag) =	ssettag s2;
	_ =	strace s9  }
0x27: {  	s1 =	sld [smem:$0x3FAC]  }
0x28: {  	s2 =	sld [smem:$0x3FAD]  }
0x29: {  	s4 =	sld [smem:$0x3FAF]  }
0x2a: {  	p0 =	seq.s32 s5, $0x0;
	s5 =	sld [smem:$0x3FB0]  }
0x2b: {  	s6 =	sld [smem:$0x3FB1]  }
0x2c: {  	s7 =	sld [smem:$0x3FB2]  }
0x2d: {  	s3 =	simm.s32 $0x108;
	s8 =	sld [smem:$0x3FB3]  }
0x2e: {  	s3 =	simm.s32 @!p0 $0x1082;
	s9 =	sld [smem:$0x3FB4]  }
0x2f: {  	lr =	sadd.s32 s0, s3;
	s0 =	sld [smem:$0x3FAB]  }
0x30: {  	s3 =	sld [smem:$0x3FAE]  }
0x31: {  	[smem:$0x3FB7] =	sst s10  }
0x32: {  	s10 =	sld [smem:$0x3FB5];
	_ =	sdelay $0x3  }
0x33: {  	p0 =	seq.s32 s10, $0x1;
	s10 =	sld [smem:$0x3FB7];
	_ =	sdelay $0x3  }
0x34: {  	[smem:$0x3FB7] =	sst s10  }
0x35: {  	s10 =	sld [smem:$0x3FB6];
	_ =	sdelay $0x3  }
0x36: {  	p1 =	seq.s32 s10, $0x1;
	s10 =	sld [smem:$0x3FB7];
	_ =	sdelay $0x3  }
0x37: {  	[smem:$0x3FB7] =	sst s10  }
0x38: {  	s10 =	sld [smem:$0x3FB8]  }
0x39: {  	_ = 	snop;
	(pc) =	sbr.ind lr, $3  }
0x3a: {  	_ = 	snop  }
0x3b: {  	_ = 	snop  }
0x3c: {  	p2 =	seq.s32 s10, $0x1;
	s10 =	sld [smem:$0x3FB7]  }
0x3d: {  	_ =	shalt  }
0x3e: {  	_ =	shalt  }
0x3f: {  	_ =	shalt  }
0x40: {  	_ =	shalt  }
0x41: {  	_ =	shalt  }
0x42: {  	_ =	shalt  }
0x43: {  	_ =	shalt  }
0x44: {  	_ =	shalt  }
0x45: {  	_ =	shalt  }
0x46: {  	_ =	shalt  }
0x47: {  	_ =	shalt  }
0x48: {  	_ =	shalt  }
0x49: {  	_ =	shalt  }
0x4a: {  	_ =	shalt  }
0x4b: {  	_ =	shalt  }
0x4c: {  	_ =	shalt  }
0x4d: {  	_ =	shalt  }
0x4e: {  	_ =	shalt  }
0x4f: {  	_ =	shalt  }
0x50: {  	_ =	shalt  }
0x51: {  	_ =	shalt  }
0x52: {  	_ =	shalt  }
0x53: {  	_ =	shalt  }
0x54: {  	_ =	shalt  }
0x55: {  	_ =	shalt  }
0x56: {  	_ =	shalt  }
0x57: {  	_ =	shalt  }
0x58: {  	_ =	shalt  }
0x59: {  	_ =	shalt  }
0x5a: {  	_ =	shalt  }
0x5b: {  	_ =	shalt  }
0x5c: {  	_ =	shalt  }
0x5d: {  	_ =	shalt  }
0x5e: {  	_ =	shalt  }
0x5f: {  	_ =	shalt  }
0x60: {  	_ =	shalt  }
0x61: {  	_ =	shalt  }
0x62: {  	_ =	shalt  }
0x63: {  	_ =	shalt  }
0x64: {  	_ =	shalt  }
0x65: {  	_ =	shalt  }
0x66: {  	_ =	shalt  }
0x67: {  	_ =	shalt  }
0x68: {  	_ =	shalt  }
0x69: {  	_ =	shalt  }
0x6a: {  	_ =	shalt  }
0x6b: {  	_ =	shalt  }
0x6c: {  	_ =	shalt  }
0x6d: {  	_ =	shalt  }
0x6e: {  	_ =	shalt  }
0x6f: {  	_ =	shalt  }
0x70: {  	_ =	shalt  }
0x71: {  	_ =	shalt  }
0x72: {  	_ =	shalt  }
0x73: {  	_ =	shalt  }
0x74: {  	_ =	shalt  }
0x75: {  	_ =	shalt  }
0x76: {  	_ =	shalt  }
0x77: {  	_ =	shalt  }
0x78: {  	_ =	shalt  }
0x79: {  	_ =	shalt  }
0x7a: {  	_ =	shalt  }
0x7b: {  	_ =	shalt  }
0x7c: {  	_ =	shalt  }
0x7d: {  	_ =	shalt  }
0x7e: {  	_ =	shalt  }
0x7f: {  	_ =	shalt  }
0x80: {  	_ =	shalt  }
0x81: {  	_ =	shalt  }
0x82: {  	_ =	shalt  }
0x83: {  	_ =	shalt  }
0x84: {  	_ =	shalt  }
0x85: {  	_ =	shalt  }
0x86: {  	_ =	shalt  }
0x87: {  	_ =	shalt  }
.Lfunc_end0:
.L_simem_size_0:
called_computation_lowered:
.L_overlay_start_0:
0x88: {  	s2 =	sld [smem:$0x3FD9]  }
0x89: {  	s3 =	sld [smem:$0x3FFE];
	_ =	sdelay $0x1  }
0x8a: {  	s1 =	srdreg.scid  }
0x8b: {  	s0 =	sand.u32 $0x1, s1  }
0x8c: {  	s17 =	sshll.u32 s0, $0xA;
	s2 =	sadd.s32 s3, s2  }
0x8d: {  	s2 =	sadd.s32 s2, s17  }
0x8e: {  	[smem:$0x3FC3] =	sst s2  }
0x8f: {  	_ = 	snop  }
0x90: {  	s2 =	sld [smem:$0x3FC7]  }
0x91: {  	s18 =	sld [smem:$0x3FC6]  }
0x92: {  	s4 =	sld [smem:$0x3FD0];
	(tm) =	ssettm $0x1  }
0x93: {  	s5 =	sld [smem:$0x3FFB];
	_ =	sdelay $0x3  }
0x94: {  	_ =	strace s5  }
0x95: {  	s5 =	sld [smem:$0x3FFC];
	_ =	sdelay $0x3  }
0x96: {  	_ =	strace s5  }
0x97: {  	s5 =	sld [smem:$0x3FFD];
	_ =	sdelay $0x3  }
0x98: {  	_ =	strace s5  }
0x99: {  	_ =	strace $0x8FFFFFFF  }
0x9a: {  	s19 =	sld [smem:$0x3FDB];
	_ =	sdelay $0x1  }
0x9b: {  	s6 =	simm.s32 $_scs_section_size  }
0x9c: {  	s7 =	simm.s32 $_size__tile_overlayer_lowered;
	s8 =	simm.s32 $_tile_overlayer_lowered  }
0x9d: {  	s22 =	simm.s32 $0x1BFF;
	s21 =	sshll.u32 s8, $0x1;
	s5 =	sadd.s32 s6, s19  }
0x9e: {  	s9 =	simm.s32 $0x0;
	s20 =	sshll.u32 s7, $0x1;
	s7 =	sadd.s32 s21, s5  }
0x9f: {  	[timem:s9], [sflag:s22] =	dma.local [hbm:s7], s20  }
0xa0: {  	_ =	swait.ge [sflag:s22], s20  }
0xa1: {  	s6 =	ssub.s32 $0x0, s20;
	[sflag:s22] =	ssyncset.done $0x0  }
0xa2: {  	[sflag:s22] =	ssyncadd.s32 s6;
	_ =	sdelay $0x1  }
0xa3: {  	s23 =	simm.s32 $0x1B8B  }
0xa4: {  	_ =	swait.ge [sflag:s23], $0x1  }
0xa5: {  	[sflag:s23] =	ssyncset.done $0x0  }
0xa6: {  	s25 =	simm.s32 $0x1B8E;
	s24 =	sld [smem:$0x3FFE];
	[sflag:s23] =	ssyncadd.s32 $0xFFFFFFFF  }
0xa7: {  	s26 =	simm.s32 $execute0_lowered;
	[smem:$0x3FD2] =	sst s25  }
0xa8: {  	s7 =	sshll.u32 s26, $0x1;
	_ =	strace $0x80000046;
	[dreg:$0x1] =	wrdreg $0xFFFFFFFF  }
0xa9: {  	s28 =	simm.s32 $_size_execute0_lowered;
	s5 =	sadd.s32 s5, s7;
	[dreg:$0x0] =	wrdreg $0x0  }
0xaa: {  	s7 =	sshll.u32 s28, $0x1;
	[dreg:$0x2] =	wrdreg s5  }
0xab: {  	[dreg:$0x3] =	wrdreg s7  }
0xac: {  	[dreg:$0x4] =	wrdreg $0xC0  }
0xad: {  	_ =	task [dreg:s9], $0x5FFFF  }
0xae: {  	[dreg:$0x1] =	wrdreg $0xFFFFFFFF  }
0xaf: {  	[dreg:$0x0] =	wrdreg $0x60  }
0xb0: {  	[dreg:$0x2] =	wrdreg s24  }
0xb1: {  	[dreg:$0x3] =	wrdreg s2  }
0xb2: {  	[dreg:$0x4] =	wrdreg s18  }
0xb3: {  	[dreg:$0x5] =	wrdreg s4  }
0xb4: {  	[dreg:$0x6] =	wrdreg $0x6B000  }
0xb5: {  	[dreg:$0x7] =	wrdreg $0x83700  }
0xb6: {  	[dreg:$0x8] =	wrdreg $0x9  }
0xb7: {  	_ =	task.clear_ibuf [dreg:s9], $0x9FFFF;
	_ =	strace $0x90000046  }
0xb8: {  	s29 =	simm.s32 $0x9;
	_ =	strace $0x80000048  }
0xb9: {  	_ =	swait.ge [sflag:s29], $0x1  }
0xba: {  	[sflag:s29] =	ssyncadd.s32 $0xFFFFFFFF  }
0xbb: {  	_ =	strace $0x90000048  }
0xbc: {  	_ =	sfence  }
0xbd: {  	s30 =	sld [smem:$0x0];
	_ =	sdelay $0x2  }
0xbe: {  	s31 =	sshll.u32 s1, $0xD;
	s1 =	sshrl.u32 s1, $0x2  }
0xbf: {  	s3 =	sand.u32 $0x4000, s31;
	s1 =	sadd.s32 s1, s30  }
0xc0: {  	s0 =	sor.u32 s3, s0;
	s1 =	sshll.u32 s1, $0x11  }
0xc1: {  	s0 =	sor.u32 s1, s0  }
0xc2: {  	s0 =	sadd.s32 $0x8F2B, s0  }
0xc3: {  	[sflag:s0] =	ssyncadd.remote.s32 $0x1  }
0xc4: {  	_ =	sfence.sel $0xFFFF  }
0xc5: {  	[dreg:$0x0] =	wrdreg $0xFFFFFFFF;
	(pc) =	sbr.abs _section_cstart, $3  }
0xc6: {  	[dreg:$0x1] =	wrdreg $0xFFFFFFFF  }
0xc7: {  	_ =	task.clear_ibuf [dreg:s9], $0x2FFFF;
	_ =	strace $0x9FFFFFFF  }
0xc8: {  	(tm) =	ssettm $0x7FFFFFFF  }
0xc9: {  	_ =	shalt  }
tec
execute0_lowered:
.L_overlay_start_1:
0x0: {  	(tag) =	ssettag $0x1  }
0x1: {  	s0 =	rddreg [dreg:$0x0]  }
0x2: {  	s1 =	rddreg [dreg:$0x3]  }
0x3: {  	s2 =	rddreg [dreg:$0x4];
	s3 =	srdreg.scid  }
0x4: {  	s11 =	stileid.u32;
	s4 =	rddreg [dreg:$0x5]  }
0x5: {  	s5 =	simm.s32 $0x0;
	s13 =	simm.s32 $0x6;
	s14 =	simm.s32 $0x1C00  }
0x6: {  	s12 =	simm.s32 $0x6A80;
	s16 =	simm.s32 $0x1;
	s17 =	simm.s32 $0x80  }
0x7: {  	s18 =	simm.s32 $0x3800;
	s31 =	simm.s32 $0x5100;
	s15 =	simm.s32 $0x6800  }
0x8: {  	s19 =	simm.s32 $0x3380;
	s20 =	simm.s32 $0x6880;
	s21 =	simm.s32 $0x3400  }
0x9: {  	s22 =	simm.s32 $0x6900;
	s23 =	simm.s32 $0x3480;
	s28 =	simm.s32 $0x4  }
0xa: {  	s29 =	simm.s32 $0x5;
	s30 =	simm.s32 $0x6A00;
	s3 =	sand.u32 $0x1, s3  }
0xb: {  	s6 =	sshll.u32 s11, $0x1;
	[smem:$0x7FF] =	sst s5;
	p0 =	seq.s32 s11, $0x1  }
0xc: {  	s26 =	sshrl.u32 s4, $0x3;
	p1 =	sne.s32 s11, $0x0;
	s8 =	sor.u32 s3, s6  }
0xd: {  	s11 =	simm.s32 $0x3300;
	_ =	strace $0x80000047;
	s6 =	smul.u32 $0x380, s8  }
0xe: {  	v0 =	vlaneseq.u32;
	s3 =	ssub.s32 $0x2, s3;
	[dreg:$0x7] =	wrdreg s26;
	s26 =	simm.s32 $0x3  }
0xf: {  	v0 =	vmul.u32 $0x32, v0;
	s24 =	sshrl.u32 s3, $0x1;
	s25 =	sshll.u32 s8, $0x4;
	s9 =	sadd.s32 s6, s0  }
0x10: {  	s6 =	sadd.s32 $0xE600, s0;
	s0 =	ssub.s32 s3, s24;
	s24 =	simm.s32 $0x6980  }
0x11: {  	v1 =	vadd.s32 $0x320, v0;
	s3 =	simm.s32 $0x0;
	s7 =	sadd.s32 $0x600, s9;
	s8 =	sadd.s32 $0x7600, s9  }
0x12: {  	v2 =	vadd.s32 $0x640, v0;
	v3 =	vadd.s32 $0x960, v0;
	v4 =	vadd.s32 $0xC80, v0;
	s9 =	sadd.s32 s1, s25;
	s10 =	smax.u32 s0, $0x1;
	s25 =	simm.s32 $0x2  }
.LBB2_1:
.Ltmp0:
0x13: {  	(pc) =	sbr.rel @p0 .LBB2_4-.Ltmp0, $1  }
0x14: {  	_ =	sdelay $0x3  }
.Ltmp1:
0x15: {  	(pc) =	sbr.rel @p1 .LBB2_6-.Ltmp1, $1  }
0x16: {  	_ =	sdelay $0x3  }
.Ltmp2:
0x17: {  	(pc) =	sbr.rel .LBB2_5-.Ltmp2, $4  }
0x18: {  	_ = 	snop  }
0x19: {  	s0 =	sshrl.u32 s2, $0x3;
	s1 =	rddreg [dreg:$0x1];
	s11 =	simm.s32 $0x1C06  }
0x1a: {  	[spmem:s0], [sflag:s11] =	dma.local [hbm:s1], $0x30E0  }
0x1b: {  	s11 =	simm.s32 $0x3300  }
.LBB2_4:
0x1c: {  	s0 =	rddreg [dreg:$0x2]  }
0x1d: {  	s1 =	rddreg [dreg:$0x7];
	s12 =	simm.s32 $0x1C46  }
0x1e: {  	[spmem:s1], [sflag:s12] =	dma.local [hbm:s0], $0x30E0  }
0x1f: {  	s12 =	simm.s32 $0x6A80  }
.LBB2_5:
0x20: {  	_ =	swait.ge [sflag:s13], $0x30E0  }
0x21: {  	[sflag:s13] =	ssyncset.done $0x0  }
0x22: {  	[sflag:s13] =	ssyncadd.s32 $0xFFFFCF20  }
.LBB2_6:
0x23: {  	[tilespmem:s5], [sflag:$0x1] =	stream.linear.gather [hbm4b:s7+s5], $0x1900, $0x38;
	[tilespmem:$0x9BE0] =	vst v63  }
0x24: {  	_ = 	snop  }
0x25: {  	[tilespmem:s14], [sflag:$0x1] =	stream.linear.gather [hbm4b:s8+s5], $0x1900, $0x38;
	[tilespmem:$0x9BE0] =	vst v63  }
0x26: {  	_ = 	snop  }
0x27: {  	[tilespmem:s12], [sflag:$0x1] =	stream.linear.gather [hbm4b:s6+s5], $0x80, $0x38;
	[tilespmem:$0x9BE0] =	vst v63  }
0x28: {  	_ =	swait.ge [sflag:s16], $0x1900  }
0x29: {  	[sflag:s16] =	ssyncset.done $0x0  }
0x2a: {  	[sflag:s16] =	ssyncadd.s32 $0xFFFFE700  }
0x2b: {  	_ =	swait.ge [sflag:s16], $0x1900  }
0x2c: {  	[sflag:s16] =	ssyncset.done $0x0  }
0x2d: {  	[sflag:s16] =	ssyncadd.s32 $0xFFFFE700  }
0x2e: {  	_ =	swait.ge [sflag:s16], $0x80  }
0x2f: {  	[sflag:s16] =	ssyncset.done $0x0  }
0x30: {  	[sflag:s16] =	ssyncadd.s32 $0xFFFFFF80  }
0x31: {  	[bflag:$0x0] =	sbarrier.arrive $0xFFFF  }
0x32: {  	[tilespmem:s18], [sflag:$0x2] =	stream.indirect.gather [spmem:s2], $0x1, s5, s17, $0xb8;
	[tilespmem:$0x9BE0] =	vst v63  }
0x33: {  	s0 =	simm.s32 $0x3880  }
0x34: {  	[tilespmem:s0], [sflag:$0x2] =	stream.indirect.gather [spmem:s2], $0x1, s17, s17, $0xb8;
	[tilespmem:$0x9BE0] =	vst v63  }
0x35: {  	s1 =	simm.s32 $0x3900;
	s0 =	simm.s32 $0x100  }
0x36: {  	[tilespmem:s1], [sflag:$0x2] =	stream.indirect.gather [spmem:s2], $0x1, s0, s17, $0xb8;
	[tilespmem:$0x9BE0] =	vst v63  }
0x37: {  	s0 =	simm.s32 $0x180;
	s1 =	simm.s32 $0x3980  }
0x38: {  	[tilespmem:s1], [sflag:$0x2] =	stream.indirect.gather [spmem:s2], $0x1, s0, s17, $0xb8;
	[tilespmem:$0x9BE0] =	vst v63  }
0x39: {  	s0 =	simm.s32 $0x200;
	s1 =	simm.s32 $0x3A00  }
0x3a: {  	[tilespmem:s1], [sflag:$0x2] =	stream.indirect.gather [spmem:s2], $0x1, s0, s17, $0xb8;
	[tilespmem:$0x9BE0] =	vst v63  }
0x3b: {  	s0 =	simm.s32 $0x280;
	s1 =	simm.s32 $0x3A80  }
0x3c: {  	[tilespmem:s1], [sflag:$0x2] =	stream.indirect.gather [spmem:s2], $0x1, s0, s17, $0xb8;
	[tilespmem:$0x9BE0] =	vst v63  }
0x3d: {  	s0 =	simm.s32 $0x300;
	s1 =	simm.s32 $0x3B00  }
0x3e: {  	[tilespmem:s1], [sflag:$0x2] =	stream.indirect.gather [spmem:s2], $0x1, s0, s17, $0xb8;
	[tilespmem:$0x9BE0] =	vst v63  }
0x3f: {  	s0 =	simm.s32 $0x380;
	s1 =	simm.s32 $0x3B80  }
0x40: {  	[tilespmem:s1], [sflag:$0x2] =	stream.indirect.gather [spmem:s2], $0x1, s0, s17, $0xb8;
	[tilespmem:$0x9BE0] =	vst v63  }
0x41: {  	s0 =	simm.s32 $0x400;
	s1 =	simm.s32 $0x3C00  }
0x42: {  	[tilespmem:s1], [sflag:$0x2] =	stream.indirect.gather [spmem:s2], $0x1, s0, s17, $0xb8;
	[tilespmem:$0x9BE0] =	vst v63  }
0x43: {  	s0 =	simm.s32 $0x480;
	s1 =	simm.s32 $0x3C80  }
0x44: {  	[tilespmem:s1], [sflag:$0x2] =	stream.indirect.gather [spmem:s2], $0x1, s0, s17, $0xb8;
	[tilespmem:$0x9BE0] =	vst v63  }
0x45: {  	s0 =	simm.s32 $0x500;
	s1 =	simm.s32 $0x3D00  }
0x46: {  	[tilespmem:s1], [sflag:$0x2] =	stream.indirect.gather [spmem:s2], $0x1, s0, s17, $0xb8;
	[tilespmem:$0x9BE0] =	vst v63  }
0x47: {  	s0 =	simm.s32 $0x580;
	s1 =	simm.s32 $0x3D80  }
0x48: {  	[tilespmem:s1], [sflag:$0x2] =	stream.indirect.gather [spmem:s2], $0x1, s0, s17, $0xb8;
	[tilespmem:$0x9BE0] =	vst v63  }
0x49: {  	s0 =	simm.s32 $0x600;
	s1 =	simm.s32 $0x3E00  }
0x4a: {  	[tilespmem:s1], [sflag:$0x2] =	stream.indirect.gather [spmem:s2], $0x1, s0, s17, $0xb8;
	[tilespmem:$0x9BE0] =	vst v63  }
0x4b: {  	s0 =	simm.s32 $0x680;
	s1 =	simm.s32 $0x3E80  }
0x4c: {  	[tilespmem:s1], [sflag:$0x2] =	stream.indirect.gather [spmem:s2], $0x1, s0, s17, $0xb8;
	[tilespmem:$0x9BE0] =	vst v63  }
0x4d: {  	s0 =	simm.s32 $0x700;
	s1 =	simm.s32 $0x3F00  }
0x4e: {  	[tilespmem:s1], [sflag:$0x2] =	stream.indirect.gather [spmem:s2], $0x1, s0, s17, $0xb8;
	[tilespmem:$0x9BE0] =	vst v63  }
0x4f: {  	s0 =	simm.s32 $0x780;
	s1 =	simm.s32 $0x3F80  }
0x50: {  	[tilespmem:s1], [sflag:$0x2] =	stream.indirect.gather [spmem:s2], $0x1, s0, s17, $0xb8;
	[tilespmem:$0x9BE0] =	vst v63  }
0x51: {  	s0 =	simm.s32 $0x800;
	s1 =	simm.s32 $0x4000  }
0x52: {  	[tilespmem:s1], [sflag:$0x2] =	stream.indirect.gather [spmem:s2], $0x1, s0, s17, $0xb8;
	[tilespmem:$0x9BE0] =	vst v63  }
0x53: {  	s0 =	simm.s32 $0x880;
	s1 =	simm.s32 $0x4080  }
0x54: {  	[tilespmem:s1], [sflag:$0x2] =	stream.indirect.gather [spmem:s2], $0x1, s0, s17, $0xb8;
	[tilespmem:$0x9BE0] =	vst v63  }
0x55: {  	s0 =	simm.s32 $0x900;
	s1 =	simm.s32 $0x4100  }
0x56: {  	[tilespmem:s1], [sflag:$0x2] =	stream.indirect.gather [spmem:s2], $0x1, s0, s17, $0xb8;
	[tilespmem:$0x9BE0] =	vst v63  }
0x57: {  	s0 =	simm.s32 $0x980;
	s1 =	simm.s32 $0x4180  }
0x58: {  	[tilespmem:s1], [sflag:$0x2] =	stream.indirect.gather [spmem:s2], $0x1, s0, s17, $0xb8;
	[tilespmem:$0x9BE0] =	vst v63  }
0x59: {  	s0 =	simm.s32 $0xA00;
	s1 =	simm.s32 $0x4200  }
0x5a: {  	[tilespmem:s1], [sflag:$0x2] =	stream.indirect.gather [spmem:s2], $0x1, s0, s17, $0xb8;
	[tilespmem:$0x9BE0] =	vst v63  }
0x5b: {  	s0 =	simm.s32 $0xA80;
	s1 =	simm.s32 $0x4280  }
0x5c: {  	[tilespmem:s1], [sflag:$0x2] =	stream.indirect.gather [spmem:s2], $0x1, s0, s17, $0xb8;
	[tilespmem:$0x9BE0] =	vst v63  }
0x5d: {  	s0 =	simm.s32 $0xB00;
	s1 =	simm.s32 $0x4300  }
0x5e: {  	[tilespmem:s1], [sflag:$0x2] =	stream.indirect.gather [spmem:s2], $0x1, s0, s17, $0xb8;
	[tilespmem:$0x9BE0] =	vst v63  }
0x5f: {  	s0 =	simm.s32 $0xB80;
	s1 =	simm.s32 $0x4380  }
0x60: {  	[tilespmem:s1], [sflag:$0x2] =	stream.indirect.gather [spmem:s2], $0x1, s0, s17, $0xb8;
	[tilespmem:$0x9BE0] =	vst v63  }
0x61: {  	s0 =	simm.s32 $0xC00;
	s1 =	simm.s32 $0x4400  }
0x62: {  	[tilespmem:s1], [sflag:$0x2] =	stream.indirect.gather [spmem:s2], $0x1, s0, s17, $0xb8;
	[tilespmem:$0x9BE0] =	vst v63  }
0x63: {  	_ = 	snop  }
0x64: {  	[tilespmem:s31], [sflag:$0x3] =	stream.indirect.gather [spmem:s4], $0x1, s14, s17, $0xb8;
	[tilespmem:$0x9BE0] =	vst v63  }
0x65: {  	s0 =	simm.s32 $0x1C80;
	s1 =	simm.s32 $0x5180  }
0x66: {  	[tilespmem:s1], [sflag:$0x3] =	stream.indirect.gather [spmem:s4], $0x1, s0, s17, $0xb8;
	[tilespmem:$0x9BE0] =	vst v63  }
0x67: {  	s0 =	simm.s32 $0x1D00;
	s1 =	simm.s32 $0x5200  }
0x68: {  	[tilespmem:s1], [sflag:$0x3] =	stream.indirect.gather [spmem:s4], $0x1, s0, s17, $0xb8;
	[tilespmem:$0x9BE0] =	vst v63  }
0x69: {  	s0 =	simm.s32 $0x1D80;
	s1 =	simm.s32 $0x5280  }
0x6a: {  	[tilespmem:s1], [sflag:$0x3] =	stream.indirect.gather [spmem:s4], $0x1, s0, s17, $0xb8;
	[tilespmem:$0x9BE0] =	vst v63  }
0x6b: {  	s0 =	simm.s32 $0x1E00;
	s1 =	simm.s32 $0x5300  }
0x6c: {  	[tilespmem:s1], [sflag:$0x3] =	stream.indirect.gather [spmem:s4], $0x1, s0, s17, $0xb8;
	[tilespmem:$0x9BE0] =	vst v63  }
0x6d: {  	s0 =	simm.s32 $0x1E80;
	s1 =	simm.s32 $0x5380  }
0x6e: {  	[tilespmem:s1], [sflag:$0x3] =	stream.indirect.gather [spmem:s4], $0x1, s0, s17, $0xb8;
	[tilespmem:$0x9BE0] =	vst v63  }
0x6f: {  	s0 =	simm.s32 $0x1F00;
	s1 =	simm.s32 $0x5400  }
0x70: {  	[tilespmem:s1], [sflag:$0x3] =	stream.indirect.gather [spmem:s4], $0x1, s0, s17, $0xb8;
	[tilespmem:$0x9BE0] =	vst v63  }
0x71: {  	s0 =	simm.s32 $0x1F80;
	s1 =	simm.s32 $0x5480  }
0x72: {  	[tilespmem:s1], [sflag:$0x3] =	stream.indirect.gather [spmem:s4], $0x1, s0, s17, $0xb8;
	[tilespmem:$0x9BE0] =	vst v63  }
0x73: {  	s0 =	simm.s32 $0x2000;
	s1 =	simm.s32 $0x5500  }
0x74: {  	[tilespmem:s1], [sflag:$0x3] =	stream.indirect.gather [spmem:s4], $0x1, s0, s17, $0xb8;
	[tilespmem:$0x9BE0] =	vst v63  }
0x75: {  	s0 =	simm.s32 $0x2080;
	s1 =	simm.s32 $0x5580  }
0x76: {  	[tilespmem:s1], [sflag:$0x3] =	stream.indirect.gather [spmem:s4], $0x1, s0, s17, $0xb8;
	[tilespmem:$0x9BE0] =	vst v63  }
0x77: {  	s0 =	simm.s32 $0x2100;
	s1 =	simm.s32 $0x5600  }
0x78: {  	[tilespmem:s1], [sflag:$0x3] =	stream.indirect.gather [spmem:s4], $0x1, s0, s17, $0xb8;
	[tilespmem:$0x9BE0] =	vst v63  }
0x79: {  	s0 =	simm.s32 $0x2180;
	s1 =	simm.s32 $0x5680  }
0x7a: {  	[tilespmem:s1], [sflag:$0x3] =	stream.indirect.gather [spmem:s4], $0x1, s0, s17, $0xb8;
	[tilespmem:$0x9BE0] =	vst v63  }
0x7b: {  	s0 =	simm.s32 $0x2200;
	s1 =	simm.s32 $0x5700  }
0x7c: {  	[tilespmem:s1], [sflag:$0x3] =	stream.indirect.gather [spmem:s4], $0x1, s0, s17, $0xb8;
	[tilespmem:$0x9BE0] =	vst v63  }
0x7d: {  	s0 =	simm.s32 $0x2280;
	s1 =	simm.s32 $0x5780  }
0x7e: {  	[tilespmem:s1], [sflag:$0x3] =	stream.indirect.gather [spmem:s4], $0x1, s0, s17, $0xb8;
	[tilespmem:$0x9BE0] =	vst v63  }
0x7f: {  	s0 =	simm.s32 $0x2300;
	s1 =	simm.s32 $0x5800  }
0x80: {  	[tilespmem:s1], [sflag:$0x3] =	stream.indirect.gather [spmem:s4], $0x1, s0, s17, $0xb8;
	[tilespmem:$0x9BE0] =	vst v63  }
0x81: {  	s0 =	simm.s32 $0x2380;
	s1 =	simm.s32 $0x5880  }
0x82: {  	[tilespmem:s1], [sflag:$0x3] =	stream.indirect.gather [spmem:s4], $0x1, s0, s17, $0xb8;
	[tilespmem:$0x9BE0] =	vst v63  }
0x83: {  	s0 =	simm.s32 $0x2400;
	s1 =	simm.s32 $0x5900  }
0x84: {  	[tilespmem:s1], [sflag:$0x3] =	stream.indirect.gather [spmem:s4], $0x1, s0, s17, $0xb8;
	[tilespmem:$0x9BE0] =	vst v63  }
0x85: {  	s0 =	simm.s32 $0x2480;
	s1 =	simm.s32 $0x5980  }
0x86: {  	[tilespmem:s1], [sflag:$0x3] =	stream.indirect.gather [spmem:s4], $0x1, s0, s17, $0xb8;
	[tilespmem:$0x9BE0] =	vst v63  }
0x87: {  	s0 =	simm.s32 $0x2500;
	s1 =	simm.s32 $0x5A00  }
0x88: {  	[tilespmem:s1], [sflag:$0x3] =	stream.indirect.gather [spmem:s4], $0x1, s0, s17, $0xb8;
	[tilespmem:$0x9BE0] =	vst v63  }
0x89: {  	s0 =	simm.s32 $0x2580;
	s1 =	simm.s32 $0x5A80  }
0x8a: {  	[tilespmem:s1], [sflag:$0x3] =	stream.indirect.gather [spmem:s4], $0x1, s0, s17, $0xb8;
	[tilespmem:$0x9BE0] =	vst v63  }
0x8b: {  	s0 =	simm.s32 $0x2600;
	s1 =	simm.s32 $0x5B00  }
0x8c: {  	[tilespmem:s1], [sflag:$0x3] =	stream.indirect.gather [spmem:s4], $0x1, s0, s17, $0xb8;
	[tilespmem:$0x9BE0] =	vst v63  }
0x8d: {  	s0 =	simm.s32 $0x2680;
	s1 =	simm.s32 $0x5B80  }
0x8e: {  	[tilespmem:s1], [sflag:$0x3] =	stream.indirect.gather [spmem:s4], $0x1, s0, s17, $0xb8;
	[tilespmem:$0x9BE0] =	vst v63  }
0x8f: {  	s0 =	simm.s32 $0x2700;
	s1 =	simm.s32 $0x5C00  }
0x90: {  	[tilespmem:s1], [sflag:$0x3] =	stream.indirect.gather [spmem:s4], $0x1, s0, s17, $0xb8;
	[tilespmem:$0x9BE0] =	vst v63  }
0x91: {  	s0 =	simm.s32 $0x2780;
	s1 =	simm.s32 $0x5C80  }
0x92: {  	[tilespmem:s1], [sflag:$0x3] =	stream.indirect.gather [spmem:s4], $0x1, s0, s17, $0xb8;
	[tilespmem:$0x9BE0] =	vst v63  }
0x93: {  	s0 =	simm.s32 $0x2800;
	s1 =	simm.s32 $0x5D00  }
0x94: {  	[tilespmem:s1], [sflag:$0x3] =	stream.indirect.gather [spmem:s4], $0x1, s0, s17, $0xb8;
	[tilespmem:$0x9BE0] =	vst v63  }
0x95: {  	s0 =	simm.s32 $0xC80;
	s1 =	simm.s32 $0x4480  }
0x96: {  	[tilespmem:s1], [sflag:$0x4] =	stream.indirect.gather [spmem:s2], $0x1, s0, s17, $0xb8;
	[tilespmem:$0x9BE0] =	vst v63  }
0x97: {  	s0 =	simm.s32 $0xD00;
	s1 =	simm.s32 $0x4500  }
0x98: {  	[tilespmem:s1], [sflag:$0x4] =	stream.indirect.gather [spmem:s2], $0x1, s0, s17, $0xb8;
	[tilespmem:$0x9BE0] =	vst v63  }
0x99: {  	s0 =	simm.s32 $0xD80;
	s1 =	simm.s32 $0x4580  }
0x9a: {  	[tilespmem:s1], [sflag:$0x4] =	stream.indirect.gather [spmem:s2], $0x1, s0, s17, $0xb8;
	[tilespmem:$0x9BE0] =	vst v63  }
0x9b: {  	s0 =	simm.s32 $0xE00;
	s1 =	simm.s32 $0x4600  }
0x9c: {  	[tilespmem:s1], [sflag:$0x4] =	stream.indirect.gather [spmem:s2], $0x1, s0, s17, $0xb8;
	[tilespmem:$0x9BE0] =	vst v63  }
0x9d: {  	s0 =	simm.s32 $0xE80;
	s1 =	simm.s32 $0x4680  }
0x9e: {  	[tilespmem:s1], [sflag:$0x4] =	stream.indirect.gather [spmem:s2], $0x1, s0, s17, $0xb8;
	[tilespmem:$0x9BE0] =	vst v63  }
0x9f: {  	s0 =	simm.s32 $0xF00;
	s1 =	simm.s32 $0x4700  }
0xa0: {  	[tilespmem:s1], [sflag:$0x4] =	stream.indirect.gather [spmem:s2], $0x1, s0, s17, $0xb8;
	[tilespmem:$0x9BE0] =	vst v63  }
0xa1: {  	s0 =	simm.s32 $0xF80;
	s1 =	simm.s32 $0x4780  }
0xa2: {  	[tilespmem:s1], [sflag:$0x4] =	stream.indirect.gather [spmem:s2], $0x1, s0, s17, $0xb8;
	[tilespmem:$0x9BE0] =	vst v63  }
0xa3: {  	s0 =	simm.s32 $0x1000;
	s1 =	simm.s32 $0x4800  }
0xa4: {  	[tilespmem:s1], [sflag:$0x4] =	stream.indirect.gather [spmem:s2], $0x1, s0, s17, $0xb8;
	[tilespmem:$0x9BE0] =	vst v63  }
0xa5: {  	s0 =	simm.s32 $0x1080;
	s1 =	simm.s32 $0x4880  }
0xa6: {  	[tilespmem:s1], [sflag:$0x4] =	stream.indirect.gather [spmem:s2], $0x1, s0, s17, $0xb8;
	[tilespmem:$0x9BE0] =	vst v63  }
0xa7: {  	s0 =	simm.s32 $0x1100;
	s1 =	simm.s32 $0x4900  }
0xa8: {  	[tilespmem:s1], [sflag:$0x4] =	stream.indirect.gather [spmem:s2], $0x1, s0, s17, $0xb8;
	[tilespmem:$0x9BE0] =	vst v63  }
0xa9: {  	s0 =	simm.s32 $0x1180;
	s1 =	simm.s32 $0x4980  }
0xaa: {  	[tilespmem:s1], [sflag:$0x4] =	stream.indirect.gather [spmem:s2], $0x1, s0, s17, $0xb8;
	[tilespmem:$0x9BE0] =	vst v63  }
0xab: {  	s0 =	simm.s32 $0x1200;
	s1 =	simm.s32 $0x4A00  }
0xac: {  	[tilespmem:s1], [sflag:$0x4] =	stream.indirect.gather [spmem:s2], $0x1, s0, s17, $0xb8;
	[tilespmem:$0x9BE0] =	vst v63  }
0xad: {  	s0 =	simm.s32 $0x1280;
	s1 =	simm.s32 $0x4A80  }
0xae: {  	[tilespmem:s1], [sflag:$0x4] =	stream.indirect.gather [spmem:s2], $0x1, s0, s17, $0xb8;
	[tilespmem:$0x9BE0] =	vst v63  }
0xaf: {  	s0 =	simm.s32 $0x1300;
	s1 =	simm.s32 $0x4B00  }
0xb0: {  	[tilespmem:s1], [sflag:$0x4] =	stream.indirect.gather [spmem:s2], $0x1, s0, s17, $0xb8;
	[tilespmem:$0x9BE0] =	vst v63  }
0xb1: {  	s0 =	simm.s32 $0x1380;
	s1 =	simm.s32 $0x4B80  }
0xb2: {  	[tilespmem:s1], [sflag:$0x4] =	stream.indirect.gather [spmem:s2], $0x1, s0, s17, $0xb8;
	[tilespmem:$0x9BE0] =	vst v63  }
0xb3: {  	s0 =	simm.s32 $0x1400;
	s1 =	simm.s32 $0x4C00  }
0xb4: {  	[tilespmem:s1], [sflag:$0x4] =	stream.indirect.gather [spmem:s2], $0x1, s0, s17, $0xb8;
	[tilespmem:$0x9BE0] =	vst v63  }
0xb5: {  	s0 =	simm.s32 $0x1480;
	s1 =	simm.s32 $0x4C80  }
0xb6: {  	[tilespmem:s1], [sflag:$0x4] =	stream.indirect.gather [spmem:s2], $0x1, s0, s17, $0xb8;
	[tilespmem:$0x9BE0] =	vst v63  }
0xb7: {  	s0 =	simm.s32 $0x1500;
	s1 =	simm.s32 $0x4D00  }
0xb8: {  	[tilespmem:s1], [sflag:$0x4] =	stream.indirect.gather [spmem:s2], $0x1, s0, s17, $0xb8;
	[tilespmem:$0x9BE0] =	vst v63  }
0xb9: {  	s0 =	simm.s32 $0x1580;
	s1 =	simm.s32 $0x4D80  }
0xba: {  	[tilespmem:s1], [sflag:$0x4] =	stream.indirect.gather [spmem:s2], $0x1, s0, s17, $0xb8;
	[tilespmem:$0x9BE0] =	vst v63  }
0xbb: {  	s0 =	simm.s32 $0x1600;
	s1 =	simm.s32 $0x4E00  }
0xbc: {  	[tilespmem:s1], [sflag:$0x4] =	stream.indirect.gather [spmem:s2], $0x1, s0, s17, $0xb8;
	[tilespmem:$0x9BE0] =	vst v63  }
0xbd: {  	s0 =	simm.s32 $0x1680;
	s1 =	simm.s32 $0x4E80  }
0xbe: {  	[tilespmem:s1], [sflag:$0x4] =	stream.indirect.gather [spmem:s2], $0x1, s0, s17, $0xb8;
	[tilespmem:$0x9BE0] =	vst v63  }
0xbf: {  	s0 =	simm.s32 $0x1700;
	s1 =	simm.s32 $0x4F00  }
0xc0: {  	[tilespmem:s1], [sflag:$0x4] =	stream.indirect.gather [spmem:s2], $0x1, s0, s17, $0xb8;
	[tilespmem:$0x9BE0] =	vst v63  }
0xc1: {  	s0 =	simm.s32 $0x1780;
	s1 =	simm.s32 $0x4F80  }
0xc2: {  	[tilespmem:s1], [sflag:$0x4] =	stream.indirect.gather [spmem:s2], $0x1, s0, s17, $0xb8;
	[tilespmem:$0x9BE0] =	vst v63  }
0xc3: {  	s0 =	simm.s32 $0x1800;
	s1 =	simm.s32 $0x5000  }
0xc4: {  	[tilespmem:s1], [sflag:$0x4] =	stream.indirect.gather [spmem:s2], $0x1, s0, s17, $0xb8;
	[tilespmem:$0x9BE0] =	vst v63  }
0xc5: {  	s0 =	simm.s32 $0x1880;
	s1 =	simm.s32 $0x5080  }
0xc6: {  	[tilespmem:s1], [sflag:$0x4] =	stream.indirect.gather [spmem:s2], $0x1, s0, s17, $0xb8;
	[tilespmem:$0x9BE0] =	vst v63  }
0xc7: {  	s0 =	simm.s32 $0x2880;
	s1 =	simm.s32 $0x5D80  }
0xc8: {  	[tilespmem:s1], [sflag:$0x5] =	stream.indirect.gather [spmem:s4], $0x1, s0, s17, $0xb8;
	[tilespmem:$0x9BE0] =	vst v63  }
0xc9: {  	s0 =	simm.s32 $0x2900;
	s1 =	simm.s32 $0x5E00  }
0xca: {  	[tilespmem:s1], [sflag:$0x5] =	stream.indirect.gather [spmem:s4], $0x1, s0, s17, $0xb8;
	[tilespmem:$0x9BE0] =	vst v63  }
0xcb: {  	s0 =	simm.s32 $0x2980;
	s1 =	simm.s32 $0x5E80  }
0xcc: {  	[tilespmem:s1], [sflag:$0x5] =	stream.indirect.gather [spmem:s4], $0x1, s0, s17, $0xb8;
	[tilespmem:$0x9BE0] =	vst v63  }
0xcd: {  	s0 =	simm.s32 $0x2A00;
	s1 =	simm.s32 $0x5F00  }
0xce: {  	[tilespmem:s1], [sflag:$0x5] =	stream.indirect.gather [spmem:s4], $0x1, s0, s17, $0xb8;
	[tilespmem:$0x9BE0] =	vst v63  }
0xcf: {  	s0 =	simm.s32 $0x2A80;
	s1 =	simm.s32 $0x5F80  }
0xd0: {  	[tilespmem:s1], [sflag:$0x5] =	stream.indirect.gather [spmem:s4], $0x1, s0, s17, $0xb8;
	[tilespmem:$0x9BE0] =	vst v63  }
0xd1: {  	s0 =	simm.s32 $0x2B00;
	s1 =	simm.s32 $0x6000  }
0xd2: {  	[tilespmem:s1], [sflag:$0x5] =	stream.indirect.gather [spmem:s4], $0x1, s0, s17, $0xb8;
	[tilespmem:$0x9BE0] =	vst v63  }
0xd3: {  	s0 =	simm.s32 $0x2B80;
	s1 =	simm.s32 $0x6080  }
0xd4: {  	[tilespmem:s1], [sflag:$0x5] =	stream.indirect.gather [spmem:s4], $0x1, s0, s17, $0xb8;
	[tilespmem:$0x9BE0] =	vst v63  }
0xd5: {  	s0 =	simm.s32 $0x2C00;
	s1 =	simm.s32 $0x6100  }
0xd6: {  	[tilespmem:s1], [sflag:$0x5] =	stream.indirect.gather [spmem:s4], $0x1, s0, s17, $0xb8;
	[tilespmem:$0x9BE0] =	vst v63  }
0xd7: {  	s0 =	simm.s32 $0x2C80;
	s1 =	simm.s32 $0x6180  }
0xd8: {  	[tilespmem:s1], [sflag:$0x5] =	stream.indirect.gather [spmem:s4], $0x1, s0, s17, $0xb8;
	[tilespmem:$0x9BE0] =	vst v63  }
0xd9: {  	s0 =	simm.s32 $0x2D00;
	s1 =	simm.s32 $0x6200  }
0xda: {  	[tilespmem:s1], [sflag:$0x5] =	stream.indirect.gather [spmem:s4], $0x1, s0, s17, $0xb8;
	[tilespmem:$0x9BE0] =	vst v63  }
0xdb: {  	s0 =	simm.s32 $0x2D80;
	s1 =	simm.s32 $0x6280  }
0xdc: {  	[tilespmem:s1], [sflag:$0x5] =	stream.indirect.gather [spmem:s4], $0x1, s0, s17, $0xb8;
	[tilespmem:$0x9BE0] =	vst v63  }
0xdd: {  	s0 =	simm.s32 $0x2E00;
	s1 =	simm.s32 $0x6300  }
0xde: {  	[tilespmem:s1], [sflag:$0x5] =	stream.indirect.gather [spmem:s4], $0x1, s0, s17, $0xb8;
	[tilespmem:$0x9BE0] =	vst v63  }
0xdf: {  	s0 =	simm.s32 $0x2E80;
	s1 =	simm.s32 $0x6380  }
0xe0: {  	[tilespmem:s1], [sflag:$0x5] =	stream.indirect.gather [spmem:s4], $0x1, s0, s17, $0xb8;
	[tilespmem:$0x9BE0] =	vst v63  }
0xe1: {  	s0 =	simm.s32 $0x2F00;
	s1 =	simm.s32 $0x6400  }
0xe2: {  	[tilespmem:s1], [sflag:$0x5] =	stream.indirect.gather [spmem:s4], $0x1, s0, s17, $0xb8;
	[tilespmem:$0x9BE0] =	vst v63  }
0xe3: {  	s0 =	simm.s32 $0x2F80;
	s1 =	simm.s32 $0x6480  }
0xe4: {  	[tilespmem:s1], [sflag:$0x5] =	stream.indirect.gather [spmem:s4], $0x1, s0, s17, $0xb8;
	[tilespmem:$0x9BE0] =	vst v63  }
0xe5: {  	s0 =	simm.s32 $0x3000;
	s1 =	simm.s32 $0x6500  }
0xe6: {  	[tilespmem:s1], [sflag:$0x5] =	stream.indirect.gather [spmem:s4], $0x1, s0, s17, $0xb8;
	[tilespmem:$0x9BE0] =	vst v63  }
0xe7: {  	s0 =	simm.s32 $0x3080;
	s1 =	simm.s32 $0x6580  }
0xe8: {  	[tilespmem:s1], [sflag:$0x5] =	stream.indirect.gather [spmem:s4], $0x1, s0, s17, $0xb8;
	[tilespmem:$0x9BE0] =	vst v63  }
0xe9: {  	s0 =	simm.s32 $0x3100;
	s1 =	simm.s32 $0x6600  }
0xea: {  	[tilespmem:s1], [sflag:$0x5] =	stream.indirect.gather [spmem:s4], $0x1, s0, s17, $0xb8;
	[tilespmem:$0x9BE0] =	vst v63  }
0xeb: {  	s0 =	simm.s32 $0x3180;
	s1 =	simm.s32 $0x6680  }
0xec: {  	[tilespmem:s1], [sflag:$0x5] =	stream.indirect.gather [spmem:s4], $0x1, s0, s17, $0xb8;
	[tilespmem:$0x9BE0] =	vst v63  }
0xed: {  	s0 =	simm.s32 $0x3200;
	s1 =	simm.s32 $0x6700  }
0xee: {  	[tilespmem:s1], [sflag:$0x5] =	stream.indirect.gather [spmem:s4], $0x1, s0, s17, $0xb8;
	[tilespmem:$0x9BE0] =	vst v63  }
0xef: {  	s0 =	simm.s32 $0x3280;
	s1 =	simm.s32 $0x6780  }
0xf0: {  	[tilespmem:s1], [sflag:$0x5] =	stream.indirect.gather [spmem:s4], $0x1, s0, s17, $0xb8;
	[tilespmem:$0x9BE0] =	vst v63  }
0xf1: {  	_ = 	snop  }
0xf2: {  	[tilespmem:s15], [sflag:$0x5] =	stream.indirect.gather [spmem:s4], $0x1, s11, s17, $0xb8;
	[tilespmem:$0x9BE0] =	vst v63  }
0xf3: {  	_ = 	snop  }
0xf4: {  	[tilespmem:s20], [sflag:$0x5] =	stream.indirect.gather [spmem:s4], $0x1, s19, s17, $0xb8;
	[tilespmem:$0x9BE0] =	vst v63  }
0xf5: {  	_ = 	snop  }
0xf6: {  	[tilespmem:s22], [sflag:$0x5] =	stream.indirect.gather [spmem:s4], $0x1, s21, s17, $0xb8;
	[tilespmem:$0x9BE0] =	vst v63  }
0xf7: {  	_ = 	snop  }
0xf8: {  	[tilespmem:s24], [sflag:$0x5] =	stream.indirect.gather [spmem:s4], $0x1, s23, s17, $0xb8;
	[tilespmem:$0x9BE0] =	vst v63  }
0xf9: {  	v5 =	vld [tilespmem:$0x6A80];
	_ =	swait.ge [sflag:s25], $0xC80  }
0xfa: {  	[sflag:s25] =	ssyncset.done $0x0  }
0xfb: {  	[sflag:s25] =	ssyncadd.s32 $0xFFFFF380  }
0xfc: {  	v6 =	vor.u32 $0x1, v0;
	_ =	swait.ge [sflag:s26], $0xC80  }
0xfd: {  	[sflag:s26] =	ssyncset.done $0x0  }
0xfe: {  	v7 =	vadd.s32 $0x2, v0;
	[sflag:s26] =	ssyncadd.s32 $0xFFFFF380  }
0xff: {  	v8 =	vld.idx.msk [tilespmem:v0+s18+$0x0], $0xffff  }
0x100: {  	v10 =	vadd.s32 $0x3, v0;
	v9 =	vld.idx.msk [tilespmem:v0+s31+$0x0], $0xffff  }
0x101: {  	v11 =	vld.idx.msk [tilespmem:v6+s18+$0x0], $0xffff  }
0x102: {  	v12 =	vadd.s32 $0x4, v0;
	v6 =	vld.idx.msk [tilespmem:v6+s31+$0x0], $0xffff  }
0x103: {  	v13 =	vld.idx.msk [tilespmem:v7+s18+$0x0], $0xffff  }
0x104: {  	v14 =	vadd.s32 $0x5, v0;
	v7 =	vld.idx.msk [tilespmem:v7+s31+$0x0], $0xffff  }
0x105: {  	v16 =	vimm.f32 $0.0e+00;
	v15 =	vld.idx.msk [tilespmem:v10+s18+$0x0], $0xffff  }
0x106: {  	v17 =	vld.idx.msk [tilespmem:v10+s31+$0x0], $0xffff;
	v10 =	vadd.s32 $0x6, v0;
	v8 =	vadd.f32 v8, v16;
	v9 =	vadd.f32 v9, v16  }
0x107: {  	v18 =	vld.idx.msk [tilespmem:v12+s31+$0x0], $0xffff  }
0x108: {  	v19 =	vadd.s32 $0x7, v0;
	v16 =	vld.idx.msk [tilespmem:v12+s18+$0x0], $0xffff;
	v8 =	vadd.f32 v11, v8;
	v6 =	vadd.f32 v6, v9  }
0x109: {  	v9 =	vld.idx.msk [tilespmem:v14+s18+$0x0], $0xffff  }
0x10a: {  	v12 =	vadd.s32 $0x8, v0;
	v11 =	vld.idx.msk [tilespmem:v14+s31+$0x0], $0xffff;
	v8 =	vadd.f32 v13, v8;
	v6 =	vadd.f32 v7, v6  }
0x10b: {  	v7 =	vld.idx.msk [tilespmem:v10+s18+$0x0], $0xffff  }
0x10c: {  	v10 =	vld.idx.msk [tilespmem:v10+s31+$0x0], $0xffff;
	v14 =	vadd.f32 v15, v8;
	v6 =	vadd.f32 v17, v6;
	v15 =	vadd.s32 $0x9, v0  }
0x10d: {  	v13 =	vld.idx.msk [tilespmem:v19+s31+$0x0], $0xffff  }
0x10e: {  	v8 =	vld.idx.msk [tilespmem:v19+s18+$0x0], $0xffff;
	v16 =	vadd.f32 v16, v14;
	v17 =	vadd.f32 v18, v6  }
0x10f: {  	s0 =	simm.s32 $0x0;
	v6 =	vadd.s32 $0xA, v0;
	v14 =	vld.idx.msk [tilespmem:v12+s18+$0x0], $0xffff  }
.LBB2_7:
0x110: {  	v18 =	vor.u32 $0x1, v6;
	v9 =	vadd.f32 v9, v16;
	v11 =	vadd.f32 v11, v17;
	v12 =	vld.idx.msk [tilespmem:v12+s31+$0x0], $0xffff  }
0x111: {  	s0 =	sadd.s32 $0xA, s0;
	v16 =	vld.idx.msk [tilespmem:v15+s18+$0x0], $0xffff  }
0x112: {  	v17 =	vadd.s32 $0x2, v6;
	p2 =	slt.u32 s0, $0x28;
	v7 =	vadd.f32 v7, v9;
	v9 =	vadd.f32 v10, v11;
	v10 =	vld.idx.msk [tilespmem:v15+s31+$0x0], $0xffff  }
0x113: {  	v11 =	vld.idx.msk [tilespmem:v6+s18+$0x0], $0xffff  }
0x114: {  	v19 =	vadd.s32 $0x3, v6;
	v15 =	vld.idx.msk [tilespmem:v6+s31+$0x0], $0xffff;
	v7 =	vadd.f32 v8, v7;
	v8 =	vadd.f32 v13, v9  }
0x115: {  	v9 =	vld.idx.msk [tilespmem:v18+s18+$0x0], $0xffff  }
0x116: {  	v13 =	vld.idx.msk [tilespmem:v18+s31+$0x0], $0xffff;
	v18 =	vadd.s32 $0x4, v6;
	v7 =	vadd.f32 v14, v7;
	v8 =	vadd.f32 v12, v8  }
0x117: {  	v12 =	vld.idx.msk [tilespmem:v17+s18+$0x0], $0xffff  }
0x118: {  	v14 =	vld.idx.msk [tilespmem:v17+s31+$0x0], $0xffff;
	v17 =	vadd.s32 $0x5, v6;
	v7 =	vadd.f32 v16, v7;
	v8 =	vadd.f32 v10, v8  }
0x119: {  	v10 =	vld.idx.msk [tilespmem:v19+s18+$0x0], $0xffff  }
0x11a: {  	v16 =	vadd.s32 $0x6, v6;
	v7 =	vadd.f32 v11, v7;
	v8 =	vadd.f32 v15, v8;
	v15 =	vld.idx.msk [tilespmem:v19+s31+$0x0], $0xffff  }
0x11b: {  	v19 =	vld.idx.msk [tilespmem:v18+s18+$0x0], $0xffff  }
0x11c: {  	v7 =	vadd.f32 v9, v7;
	v8 =	vadd.f32 v13, v8;
	v13 =	vld.idx.msk [tilespmem:v18+s31+$0x0], $0xffff;
	v18 =	vadd.s32 $0x7, v6  }
0x11d: {  	v9 =	vld.idx.msk [tilespmem:v17+s18+$0x0], $0xffff  }
0x11e: {  	v20 =	vadd.f32 v12, v7;
	v8 =	vadd.f32 v14, v8;
	v11 =	vld.idx.msk [tilespmem:v17+s31+$0x0], $0xffff;
	v12 =	vadd.s32 $0x8, v6  }
.Ltmp3:
0x11f: {  	v7 =	vld.idx.msk [tilespmem:v16+s18+$0x0], $0xffff;
	(pc) =	sbr.rel @p2 .LBB2_7-.Ltmp3, $4  }
0x120: {  	v14 =	vadd.f32 v10, v20;
	v17 =	vadd.f32 v15, v8;
	v10 =	vld.idx.msk [tilespmem:v16+s31+$0x0], $0xffff;
	v15 =	vadd.s32 $0x9, v6  }
0x121: {  	v8 =	vld.idx.msk [tilespmem:v18+s18+$0x0], $0xffff  }
0x122: {  	v6 =	vadd.s32 $0xA, v6;
	v16 =	vadd.f32 v19, v14;
	v17 =	vadd.f32 v13, v17;
	v13 =	vld.idx.msk [tilespmem:v18+s31+$0x0], $0xffff  }
0x123: {  	v14 =	vld.idx.msk [tilespmem:v12+s18+$0x0], $0xffff  }
0x124: {  	_ =	sdelay $0x2  }
0x125: {  	v6 =	vadd.f32 v9, v16;
	v9 =	vadd.f32 v11, v17  }
0x126: {  	v11 =	vld.idx.msk [tilespmem:v12+s31+$0x0], $0xffff  }
0x127: {  	v12 =	vld.idx.msk [tilespmem:v15+s18+$0x0], $0xffff;
	v6 =	vadd.f32 v7, v6;
	v7 =	vadd.f32 v10, v9  }
0x128: {  	v9 =	vld.idx.msk [tilespmem:v15+s31+$0x0], $0xffff  }
0x129: {  	v6 =	vadd.f32 v8, v6;
	v7 =	vadd.f32 v13, v7;
	_ =	sdelay $0x1  }
0x12a: {  	v6 =	vadd.f32 v14, v6;
	v7 =	vadd.f32 v11, v7;
	_ =	sdelay $0x1  }
0x12b: {  	v6 =	vadd.f32 v12, v6;
	v7 =	vadd.f32 v9, v7;
	_ =	sdelay $0x1  }
0x12c: {  	v6 =	vadd.f32 v7, v6;
	_ =	sdelay $0x1  }
0x12d: {  	v6 =	vadd.f32 v6, v5;
	_ =	sdelay $0x1  }
0x12e: {  	v6 =	vsub.f32 $0.0e+00, v6;
	_ =	sdelay $0x1  }
0x12f: {  	v6 =	vmul.f32 $1.442695020e+00, v6;
	_ =	sdelay $0x1  }
0x130: {  	(erf) = vpow2.f32 v6;
	_ =	sdelay $0x8  }
0x131: {  	v6 =	vpop (erf)  }
0x132: {  	v6 =	vadd.f32 $1.000000000e+00, v6;
	_ =	sdelay $0x1  }
0x133: {  	(erf) = vrcp.f32 v6;
	_ =	sdelay $0x7  }
0x134: {  	v6 =	vor.u32 $0x1, v1  }
0x135: {  	v7 =	vpop (erf)  }
0x136: {  	v10 =	vadd.s32 $0x3, v1;
	[tilespmem:$0x6A00] =	vst v7  }
0x137: {  	v7 =	vadd.s32 $0x2, v1;
	v8 =	vld.idx.msk [tilespmem:v1+s18+$0x0], $0xffff  }
0x138: {  	v9 =	vld.idx.msk [tilespmem:v1+s31+$0x0], $0xffff  }
0x139: {  	v11 =	vld.idx.msk [tilespmem:v6+s18+$0x0], $0xffff  }
0x13a: {  	v12 =	vadd.s32 $0x4, v1;
	v6 =	vld.idx.msk [tilespmem:v6+s31+$0x0], $0xffff  }
0x13b: {  	v15 =	vld.idx.msk [tilespmem:v10+s18+$0x0], $0xffff  }
0x13c: {  	v14 =	vadd.s32 $0x5, v1;
	v13 =	vld.idx.msk [tilespmem:v7+s18+$0x0], $0xffff  }
0x13d: {  	v16 =	vimm.f32 $0.0e+00;
	v7 =	vld.idx.msk [tilespmem:v7+s31+$0x0], $0xffff  }
0x13e: {  	v17 =	vld.idx.msk [tilespmem:v10+s31+$0x0], $0xffff;
	v10 =	vadd.s32 $0x6, v1;
	v8 =	vadd.f32 v8, v16;
	v9 =	vadd.f32 v9, v16  }
0x13f: {  	v18 =	vld.idx.msk [tilespmem:v12+s31+$0x0], $0xffff  }
0x140: {  	v19 =	vadd.s32 $0x7, v1;
	v16 =	vld.idx.msk [tilespmem:v12+s18+$0x0], $0xffff;
	v8 =	vadd.f32 v11, v8;
	v6 =	vadd.f32 v6, v9  }
0x141: {  	v9 =	vld.idx.msk [tilespmem:v14+s18+$0x0], $0xffff  }
0x142: {  	v12 =	vadd.s32 $0x8, v1;
	v11 =	vld.idx.msk [tilespmem:v14+s31+$0x0], $0xffff;
	v8 =	vadd.f32 v13, v8;
	v6 =	vadd.f32 v7, v6  }
0x143: {  	v7 =	vld.idx.msk [tilespmem:v10+s18+$0x0], $0xffff  }
0x144: {  	v10 =	vld.idx.msk [tilespmem:v10+s31+$0x0], $0xffff;
	v14 =	vadd.f32 v15, v8;
	v6 =	vadd.f32 v17, v6;
	v15 =	vadd.s32 $0x9, v1  }
0x145: {  	v13 =	vld.idx.msk [tilespmem:v19+s31+$0x0], $0xffff  }
0x146: {  	v8 =	vld.idx.msk [tilespmem:v19+s18+$0x0], $0xffff;
	v16 =	vadd.f32 v16, v14;
	v17 =	vadd.f32 v18, v6  }
0x147: {  	s0 =	simm.s32 $0x0;
	v6 =	vadd.s32 $0xA, v1;
	v14 =	vld.idx.msk [tilespmem:v12+s18+$0x0], $0xffff  }
.LBB2_9:
0x148: {  	v18 =	vor.u32 $0x1, v6;
	v9 =	vadd.f32 v9, v16;
	v11 =	vadd.f32 v11, v17;
	v12 =	vld.idx.msk [tilespmem:v12+s31+$0x0], $0xffff  }
0x149: {  	s0 =	sadd.s32 $0xA, s0;
	v16 =	vld.idx.msk [tilespmem:v15+s18+$0x0], $0xffff  }
0x14a: {  	v17 =	vadd.s32 $0x2, v6;
	p2 =	slt.u32 s0, $0x28;
	v7 =	vadd.f32 v7, v9;
	v9 =	vadd.f32 v10, v11;
	v10 =	vld.idx.msk [tilespmem:v15+s31+$0x0], $0xffff  }
0x14b: {  	v11 =	vld.idx.msk [tilespmem:v6+s18+$0x0], $0xffff  }
0x14c: {  	v19 =	vadd.s32 $0x3, v6;
	v15 =	vld.idx.msk [tilespmem:v6+s31+$0x0], $0xffff;
	v7 =	vadd.f32 v8, v7;
	v8 =	vadd.f32 v13, v9  }
0x14d: {  	v9 =	vld.idx.msk [tilespmem:v18+s18+$0x0], $0xffff  }
0x14e: {  	v13 =	vld.idx.msk [tilespmem:v18+s31+$0x0], $0xffff;
	v18 =	vadd.s32 $0x4, v6;
	v7 =	vadd.f32 v14, v7;
	v8 =	vadd.f32 v12, v8  }
0x14f: {  	v12 =	vld.idx.msk [tilespmem:v17+s18+$0x0], $0xffff  }
0x150: {  	v14 =	vld.idx.msk [tilespmem:v17+s31+$0x0], $0xffff;
	v17 =	vadd.s32 $0x5, v6;
	v7 =	vadd.f32 v16, v7;
	v8 =	vadd.f32 v10, v8  }
0x151: {  	v10 =	vld.idx.msk [tilespmem:v19+s18+$0x0], $0xffff  }
0x152: {  	v16 =	vadd.s32 $0x6, v6;
	v7 =	vadd.f32 v11, v7;
	v8 =	vadd.f32 v15, v8;
	v15 =	vld.idx.msk [tilespmem:v19+s31+$0x0], $0xffff  }
0x153: {  	v19 =	vld.idx.msk [tilespmem:v18+s18+$0x0], $0xffff  }
0x154: {  	v7 =	vadd.f32 v9, v7;
	v8 =	vadd.f32 v13, v8;
	v13 =	vld.idx.msk [tilespmem:v18+s31+$0x0], $0xffff;
	v18 =	vadd.s32 $0x7, v6  }
0x155: {  	v9 =	vld.idx.msk [tilespmem:v17+s18+$0x0], $0xffff  }
0x156: {  	v20 =	vadd.f32 v12, v7;
	v8 =	vadd.f32 v14, v8;
	v11 =	vld.idx.msk [tilespmem:v17+s31+$0x0], $0xffff;
	v12 =	vadd.s32 $0x8, v6  }
.Ltmp4:
0x157: {  	v7 =	vld.idx.msk [tilespmem:v16+s18+$0x0], $0xffff;
	(pc) =	sbr.rel @p2 .LBB2_9-.Ltmp4, $4  }
0x158: {  	v14 =	vadd.f32 v10, v20;
	v17 =	vadd.f32 v15, v8;
	v10 =	vld.idx.msk [tilespmem:v16+s31+$0x0], $0xffff;
	v15 =	vadd.s32 $0x9, v6  }
0x159: {  	v8 =	vld.idx.msk [tilespmem:v18+s18+$0x0], $0xffff  }
0x15a: {  	v6 =	vadd.s32 $0xA, v6;
	v16 =	vadd.f32 v19, v14;
	v17 =	vadd.f32 v13, v17;
	v13 =	vld.idx.msk [tilespmem:v18+s31+$0x0], $0xffff  }
0x15b: {  	v14 =	vld.idx.msk [tilespmem:v12+s18+$0x0], $0xffff  }
0x15c: {  	_ =	sdelay $0x2  }
0x15d: {  	v6 =	vadd.f32 v9, v16;
	v9 =	vadd.f32 v11, v17  }
0x15e: {  	v11 =	vld.idx.msk [tilespmem:v12+s31+$0x0], $0xffff  }
0x15f: {  	v12 =	vld.idx.msk [tilespmem:v15+s18+$0x0], $0xffff;
	v6 =	vadd.f32 v7, v6;
	v7 =	vadd.f32 v10, v9  }
0x160: {  	v9 =	vld.idx.msk [tilespmem:v15+s31+$0x0], $0xffff  }
0x161: {  	v6 =	vadd.f32 v8, v6;
	v7 =	vadd.f32 v13, v7;
	_ =	sdelay $0x1  }
0x162: {  	v6 =	vadd.f32 v14, v6;
	v7 =	vadd.f32 v11, v7;
	_ =	sdelay $0x1  }
0x163: {  	v6 =	vadd.f32 v12, v6;
	v7 =	vadd.f32 v9, v7;
	_ =	sdelay $0x1  }
0x164: {  	v6 =	vadd.f32 v7, v6;
	_ =	sdelay $0x1  }
0x165: {  	v6 =	vadd.f32 v6, v5;
	_ =	sdelay $0x1  }
0x166: {  	v6 =	vsub.f32 $0.0e+00, v6;
	_ =	sdelay $0x1  }
0x167: {  	v6 =	vmul.f32 $1.442695020e+00, v6;
	_ =	sdelay $0x1  }
0x168: {  	(erf) = vpow2.f32 v6;
	_ =	sdelay $0x8  }
0x169: {  	v6 =	vpop (erf)  }
0x16a: {  	v6 =	vadd.f32 $1.000000000e+00, v6;
	_ =	sdelay $0x1  }
0x16b: {  	(erf) = vrcp.f32 v6;
	_ =	sdelay $0x7  }
0x16c: {  	v6 =	vor.u32 $0x1, v2  }
0x16d: {  	v7 =	vpop (erf)  }
0x16e: {  	v10 =	vadd.s32 $0x3, v2;
	[tilespmem:$0x6A10] =	vst v7  }
0x16f: {  	v7 =	vadd.s32 $0x2, v2;
	v8 =	vld.idx.msk [tilespmem:v2+s18+$0x0], $0xffff  }
0x170: {  	v9 =	vld.idx.msk [tilespmem:v2+s31+$0x0], $0xffff  }
0x171: {  	v11 =	vld.idx.msk [tilespmem:v6+s18+$0x0], $0xffff  }
0x172: {  	v12 =	vadd.s32 $0x4, v2;
	v6 =	vld.idx.msk [tilespmem:v6+s31+$0x0], $0xffff  }
0x173: {  	v15 =	vld.idx.msk [tilespmem:v10+s18+$0x0], $0xffff  }
0x174: {  	v14 =	vadd.s32 $0x5, v2;
	v13 =	vld.idx.msk [tilespmem:v7+s18+$0x0], $0xffff  }
0x175: {  	v16 =	vimm.f32 $0.0e+00;
	v7 =	vld.idx.msk [tilespmem:v7+s31+$0x0], $0xffff  }
0x176: {  	v17 =	vld.idx.msk [tilespmem:v10+s31+$0x0], $0xffff;
	v10 =	vadd.s32 $0x6, v2;
	v8 =	vadd.f32 v8, v16;
	v9 =	vadd.f32 v9, v16  }
0x177: {  	v18 =	vld.idx.msk [tilespmem:v12+s31+$0x0], $0xffff  }
0x178: {  	v19 =	vadd.s32 $0x7, v2;
	v16 =	vld.idx.msk [tilespmem:v12+s18+$0x0], $0xffff;
	v8 =	vadd.f32 v11, v8;
	v6 =	vadd.f32 v6, v9  }
0x179: {  	v9 =	vld.idx.msk [tilespmem:v14+s18+$0x0], $0xffff  }
0x17a: {  	v12 =	vadd.s32 $0x8, v2;
	v11 =	vld.idx.msk [tilespmem:v14+s31+$0x0], $0xffff;
	v8 =	vadd.f32 v13, v8;
	v6 =	vadd.f32 v7, v6  }
0x17b: {  	v7 =	vld.idx.msk [tilespmem:v10+s18+$0x0], $0xffff  }
0x17c: {  	v10 =	vld.idx.msk [tilespmem:v10+s31+$0x0], $0xffff;
	v14 =	vadd.f32 v15, v8;
	v6 =	vadd.f32 v17, v6;
	v15 =	vadd.s32 $0x9, v2  }
0x17d: {  	v13 =	vld.idx.msk [tilespmem:v19+s31+$0x0], $0xffff  }
0x17e: {  	v8 =	vld.idx.msk [tilespmem:v19+s18+$0x0], $0xffff;
	v16 =	vadd.f32 v16, v14;
	v17 =	vadd.f32 v18, v6  }
0x17f: {  	s0 =	simm.s32 $0x0;
	v6 =	vadd.s32 $0xA, v2;
	v14 =	vld.idx.msk [tilespmem:v12+s18+$0x0], $0xffff  }
.LBB2_11:
0x180: {  	v18 =	vor.u32 $0x1, v6;
	v9 =	vadd.f32 v9, v16;
	v11 =	vadd.f32 v11, v17;
	v12 =	vld.idx.msk [tilespmem:v12+s31+$0x0], $0xffff  }
0x181: {  	s0 =	sadd.s32 $0xA, s0;
	v16 =	vld.idx.msk [tilespmem:v15+s18+$0x0], $0xffff  }
0x182: {  	v17 =	vadd.s32 $0x2, v6;
	p2 =	slt.u32 s0, $0x28;
	v7 =	vadd.f32 v7, v9;
	v9 =	vadd.f32 v10, v11;
	v10 =	vld.idx.msk [tilespmem:v15+s31+$0x0], $0xffff  }
0x183: {  	v11 =	vld.idx.msk [tilespmem:v6+s18+$0x0], $0xffff  }
0x184: {  	v19 =	vadd.s32 $0x3, v6;
	v15 =	vld.idx.msk [tilespmem:v6+s31+$0x0], $0xffff;
	v7 =	vadd.f32 v8, v7;
	v8 =	vadd.f32 v13, v9  }
0x185: {  	v9 =	vld.idx.msk [tilespmem:v18+s18+$0x0], $0xffff  }
0x186: {  	v13 =	vld.idx.msk [tilespmem:v18+s31+$0x0], $0xffff;
	v18 =	vadd.s32 $0x4, v6;
	v7 =	vadd.f32 v14, v7;
	v8 =	vadd.f32 v12, v8  }
0x187: {  	v12 =	vld.idx.msk [tilespmem:v17+s18+$0x0], $0xffff  }
0x188: {  	v14 =	vld.idx.msk [tilespmem:v17+s31+$0x0], $0xffff;
	v17 =	vadd.s32 $0x5, v6;
	v7 =	vadd.f32 v16, v7;
	v8 =	vadd.f32 v10, v8  }
0x189: {  	v10 =	vld.idx.msk [tilespmem:v19+s18+$0x0], $0xffff  }
0x18a: {  	v16 =	vadd.s32 $0x6, v6;
	v7 =	vadd.f32 v11, v7;
	v8 =	vadd.f32 v15, v8;
	v15 =	vld.idx.msk [tilespmem:v19+s31+$0x0], $0xffff  }
0x18b: {  	v19 =	vld.idx.msk [tilespmem:v18+s18+$0x0], $0xffff  }
0x18c: {  	v7 =	vadd.f32 v9, v7;
	v8 =	vadd.f32 v13, v8;
	v13 =	vld.idx.msk [tilespmem:v18+s31+$0x0], $0xffff;
	v18 =	vadd.s32 $0x7, v6  }
0x18d: {  	v9 =	vld.idx.msk [tilespmem:v17+s18+$0x0], $0xffff  }
0x18e: {  	v20 =	vadd.f32 v12, v7;
	v8 =	vadd.f32 v14, v8;
	v11 =	vld.idx.msk [tilespmem:v17+s31+$0x0], $0xffff;
	v12 =	vadd.s32 $0x8, v6  }
.Ltmp5:
0x18f: {  	v7 =	vld.idx.msk [tilespmem:v16+s18+$0x0], $0xffff;
	(pc) =	sbr.rel @p2 .LBB2_11-.Ltmp5, $4  }
0x190: {  	v14 =	vadd.f32 v10, v20;
	v17 =	vadd.f32 v15, v8;
	v10 =	vld.idx.msk [tilespmem:v16+s31+$0x0], $0xffff;
	v15 =	vadd.s32 $0x9, v6  }
0x191: {  	v8 =	vld.idx.msk [tilespmem:v18+s18+$0x0], $0xffff  }
0x192: {  	v6 =	vadd.s32 $0xA, v6;
	v16 =	vadd.f32 v19, v14;
	v17 =	vadd.f32 v13, v17;
	v13 =	vld.idx.msk [tilespmem:v18+s31+$0x0], $0xffff  }
0x193: {  	v14 =	vld.idx.msk [tilespmem:v12+s18+$0x0], $0xffff  }
0x194: {  	_ =	sdelay $0x2  }
0x195: {  	v6 =	vadd.f32 v9, v16;
	v9 =	vadd.f32 v11, v17  }
0x196: {  	v11 =	vld.idx.msk [tilespmem:v12+s31+$0x0], $0xffff  }
0x197: {  	v12 =	vld.idx.msk [tilespmem:v15+s18+$0x0], $0xffff;
	v6 =	vadd.f32 v7, v6;
	v7 =	vadd.f32 v10, v9  }
0x198: {  	v9 =	vld.idx.msk [tilespmem:v15+s31+$0x0], $0xffff  }
0x199: {  	v6 =	vadd.f32 v8, v6;
	v7 =	vadd.f32 v13, v7;
	_ =	sdelay $0x1  }
0x19a: {  	v6 =	vadd.f32 v14, v6;
	v7 =	vadd.f32 v11, v7;
	_ =	sdelay $0x1  }
0x19b: {  	v6 =	vadd.f32 v12, v6;
	v7 =	vadd.f32 v9, v7;
	_ =	sdelay $0x1  }
0x19c: {  	v6 =	vadd.f32 v7, v6;
	_ =	sdelay $0x1  }
0x19d: {  	v6 =	vadd.f32 v6, v5;
	_ =	sdelay $0x1  }
0x19e: {  	v6 =	vsub.f32 $0.0e+00, v6;
	_ =	sdelay $0x1  }
0x19f: {  	v6 =	vmul.f32 $1.442695020e+00, v6;
	_ =	sdelay $0x1  }
0x1a0: {  	(erf) = vpow2.f32 v6;
	_ =	sdelay $0x8  }
0x1a1: {  	v6 =	vpop (erf)  }
0x1a2: {  	v6 =	vadd.f32 $1.000000000e+00, v6;
	_ =	sdelay $0x1  }
0x1a3: {  	(erf) = vrcp.f32 v6;
	_ =	sdelay $0x7  }
0x1a4: {  	v6 =	vor.u32 $0x1, v3  }
0x1a5: {  	v7 =	vpop (erf)  }
0x1a6: {  	v10 =	vadd.s32 $0x3, v3;
	[tilespmem:$0x6A20] =	vst v7  }
0x1a7: {  	v7 =	vadd.s32 $0x2, v3;
	v8 =	vld.idx.msk [tilespmem:v3+s18+$0x0], $0xffff  }
0x1a8: {  	v9 =	vld.idx.msk [tilespmem:v3+s31+$0x0], $0xffff  }
0x1a9: {  	v11 =	vld.idx.msk [tilespmem:v6+s18+$0x0], $0xffff  }
0x1aa: {  	v12 =	vadd.s32 $0x4, v3;
	v6 =	vld.idx.msk [tilespmem:v6+s31+$0x0], $0xffff  }
0x1ab: {  	v15 =	vld.idx.msk [tilespmem:v10+s18+$0x0], $0xffff  }
0x1ac: {  	v14 =	vadd.s32 $0x5, v3;
	v13 =	vld.idx.msk [tilespmem:v7+s18+$0x0], $0xffff  }
0x1ad: {  	v16 =	vimm.f32 $0.0e+00;
	v7 =	vld.idx.msk [tilespmem:v7+s31+$0x0], $0xffff  }
0x1ae: {  	v17 =	vld.idx.msk [tilespmem:v10+s31+$0x0], $0xffff;
	v10 =	vadd.s32 $0x6, v3;
	v8 =	vadd.f32 v8, v16;
	v9 =	vadd.f32 v9, v16  }
0x1af: {  	v18 =	vld.idx.msk [tilespmem:v12+s31+$0x0], $0xffff  }
0x1b0: {  	v19 =	vadd.s32 $0x7, v3;
	v16 =	vld.idx.msk [tilespmem:v12+s18+$0x0], $0xffff;
	v8 =	vadd.f32 v11, v8;
	v6 =	vadd.f32 v6, v9  }
0x1b1: {  	v9 =	vld.idx.msk [tilespmem:v14+s18+$0x0], $0xffff  }
0x1b2: {  	v12 =	vadd.s32 $0x8, v3;
	v11 =	vld.idx.msk [tilespmem:v14+s31+$0x0], $0xffff;
	v8 =	vadd.f32 v13, v8;
	v6 =	vadd.f32 v7, v6  }
0x1b3: {  	v7 =	vld.idx.msk [tilespmem:v10+s18+$0x0], $0xffff  }
0x1b4: {  	v10 =	vld.idx.msk [tilespmem:v10+s31+$0x0], $0xffff;
	v14 =	vadd.f32 v15, v8;
	v6 =	vadd.f32 v17, v6;
	v15 =	vadd.s32 $0x9, v3  }
0x1b5: {  	v13 =	vld.idx.msk [tilespmem:v19+s31+$0x0], $0xffff  }
0x1b6: {  	v8 =	vld.idx.msk [tilespmem:v19+s18+$0x0], $0xffff;
	v16 =	vadd.f32 v16, v14;
	v17 =	vadd.f32 v18, v6  }
0x1b7: {  	s0 =	simm.s32 $0x0;
	v6 =	vadd.s32 $0xA, v3;
	v14 =	vld.idx.msk [tilespmem:v12+s18+$0x0], $0xffff  }
.LBB2_13:
0x1b8: {  	v18 =	vor.u32 $0x1, v6;
	v9 =	vadd.f32 v9, v16;
	v11 =	vadd.f32 v11, v17;
	v12 =	vld.idx.msk [tilespmem:v12+s31+$0x0], $0xffff  }
0x1b9: {  	s0 =	sadd.s32 $0xA, s0;
	v16 =	vld.idx.msk [tilespmem:v15+s18+$0x0], $0xffff  }
0x1ba: {  	v17 =	vadd.s32 $0x2, v6;
	p2 =	slt.u32 s0, $0x28;
	v7 =	vadd.f32 v7, v9;
	v9 =	vadd.f32 v10, v11;
	v10 =	vld.idx.msk [tilespmem:v15+s31+$0x0], $0xffff  }
0x1bb: {  	v11 =	vld.idx.msk [tilespmem:v6+s18+$0x0], $0xffff  }
0x1bc: {  	v19 =	vadd.s32 $0x3, v6;
	v15 =	vld.idx.msk [tilespmem:v6+s31+$0x0], $0xffff;
	v7 =	vadd.f32 v8, v7;
	v8 =	vadd.f32 v13, v9  }
0x1bd: {  	v9 =	vld.idx.msk [tilespmem:v18+s18+$0x0], $0xffff  }
0x1be: {  	v13 =	vld.idx.msk [tilespmem:v18+s31+$0x0], $0xffff;
	v18 =	vadd.s32 $0x4, v6;
	v7 =	vadd.f32 v14, v7;
	v8 =	vadd.f32 v12, v8  }
0x1bf: {  	v12 =	vld.idx.msk [tilespmem:v17+s18+$0x0], $0xffff  }
0x1c0: {  	v14 =	vld.idx.msk [tilespmem:v17+s31+$0x0], $0xffff;
	v17 =	vadd.s32 $0x5, v6;
	v7 =	vadd.f32 v16, v7;
	v8 =	vadd.f32 v10, v8  }
0x1c1: {  	v10 =	vld.idx.msk [tilespmem:v19+s18+$0x0], $0xffff  }
0x1c2: {  	v16 =	vadd.s32 $0x6, v6;
	v7 =	vadd.f32 v11, v7;
	v8 =	vadd.f32 v15, v8;
	v15 =	vld.idx.msk [tilespmem:v19+s31+$0x0], $0xffff  }
0x1c3: {  	v19 =	vld.idx.msk [tilespmem:v18+s18+$0x0], $0xffff  }
0x1c4: {  	v7 =	vadd.f32 v9, v7;
	v8 =	vadd.f32 v13, v8;
	v13 =	vld.idx.msk [tilespmem:v18+s31+$0x0], $0xffff;
	v18 =	vadd.s32 $0x7, v6  }
0x1c5: {  	v9 =	vld.idx.msk [tilespmem:v17+s18+$0x0], $0xffff  }
0x1c6: {  	v20 =	vadd.f32 v12, v7;
	v8 =	vadd.f32 v14, v8;
	v11 =	vld.idx.msk [tilespmem:v17+s31+$0x0], $0xffff;
	v12 =	vadd.s32 $0x8, v6  }
.Ltmp6:
0x1c7: {  	v7 =	vld.idx.msk [tilespmem:v16+s18+$0x0], $0xffff;
	(pc) =	sbr.rel @p2 .LBB2_13-.Ltmp6, $4  }
0x1c8: {  	v14 =	vadd.f32 v10, v20;
	v17 =	vadd.f32 v15, v8;
	v10 =	vld.idx.msk [tilespmem:v16+s31+$0x0], $0xffff;
	v15 =	vadd.s32 $0x9, v6  }
0x1c9: {  	v8 =	vld.idx.msk [tilespmem:v18+s18+$0x0], $0xffff  }
0x1ca: {  	v6 =	vadd.s32 $0xA, v6;
	v16 =	vadd.f32 v19, v14;
	v17 =	vadd.f32 v13, v17;
	v13 =	vld.idx.msk [tilespmem:v18+s31+$0x0], $0xffff  }
0x1cb: {  	v14 =	vld.idx.msk [tilespmem:v12+s18+$0x0], $0xffff  }
0x1cc: {  	_ =	sdelay $0x2  }
0x1cd: {  	v6 =	vadd.f32 v9, v16;
	v9 =	vadd.f32 v11, v17  }
0x1ce: {  	v11 =	vld.idx.msk [tilespmem:v12+s31+$0x0], $0xffff  }
0x1cf: {  	v12 =	vld.idx.msk [tilespmem:v15+s18+$0x0], $0xffff;
	v6 =	vadd.f32 v7, v6;
	v7 =	vadd.f32 v10, v9  }
0x1d0: {  	v9 =	vld.idx.msk [tilespmem:v15+s31+$0x0], $0xffff  }
0x1d1: {  	v6 =	vadd.f32 v8, v6;
	v7 =	vadd.f32 v13, v7;
	_ =	sdelay $0x1  }
0x1d2: {  	v6 =	vadd.f32 v14, v6;
	v7 =	vadd.f32 v11, v7;
	_ =	sdelay $0x1  }
0x1d3: {  	v6 =	vadd.f32 v12, v6;
	v7 =	vadd.f32 v9, v7;
	_ =	sdelay $0x1  }
0x1d4: {  	v6 =	vadd.f32 v7, v6;
	_ =	sdelay $0x1  }
0x1d5: {  	v6 =	vadd.f32 v6, v5;
	_ =	sdelay $0x1  }
0x1d6: {  	v6 =	vsub.f32 $0.0e+00, v6;
	_ =	sdelay $0x1  }
0x1d7: {  	v6 =	vmul.f32 $1.442695020e+00, v6;
	_ =	sdelay $0x1  }
0x1d8: {  	(erf) = vpow2.f32 v6;
	_ =	sdelay $0x8  }
0x1d9: {  	v6 =	vpop (erf)  }
0x1da: {  	v6 =	vadd.f32 $1.000000000e+00, v6;
	_ =	sdelay $0x1  }
0x1db: {  	(erf) = vrcp.f32 v6;
	_ =	sdelay $0x8  }
0x1dc: {  	v6 =	vpop (erf)  }
0x1dd: {  	[tilespmem:$0x6A30] =	vst v6  }
0x1de: {  	_ =	swait.ge [sflag:s28], $0xC80  }
0x1df: {  	[sflag:s28] =	ssyncset.done $0x0  }
0x1e0: {  	[sflag:s28] =	ssyncadd.s32 $0xFFFFF380  }
0x1e1: {  	v6 =	vor.u32 $0x1, v4;
	_ =	swait.ge [sflag:s29], $0xC80  }
0x1e2: {  	[sflag:s29] =	ssyncset.done $0x0  }
0x1e3: {  	v7 =	vadd.s32 $0x2, v4;
	[sflag:s29] =	ssyncadd.s32 $0xFFFFF380  }
0x1e4: {  	v8 =	vld.idx.msk [tilespmem:v4+s18+$0x0], $0xffff  }
0x1e5: {  	v10 =	vadd.s32 $0x3, v4;
	v9 =	vld.idx.msk [tilespmem:v4+s31+$0x0], $0xffff  }
0x1e6: {  	v11 =	vld.idx.msk [tilespmem:v6+s18+$0x0], $0xffff  }
0x1e7: {  	v12 =	vadd.s32 $0x4, v4;
	v6 =	vld.idx.msk [tilespmem:v6+s31+$0x0], $0xffff  }
0x1e8: {  	v13 =	vld.idx.msk [tilespmem:v7+s18+$0x0], $0xffff  }
0x1e9: {  	v14 =	vadd.s32 $0x5, v4;
	v7 =	vld.idx.msk [tilespmem:v7+s31+$0x0], $0xffff  }
0x1ea: {  	v16 =	vimm.f32 $0.0e+00;
	v15 =	vld.idx.msk [tilespmem:v10+s18+$0x0], $0xffff  }
0x1eb: {  	v17 =	vld.idx.msk [tilespmem:v10+s31+$0x0], $0xffff;
	v10 =	vadd.s32 $0x6, v4;
	v8 =	vadd.f32 v8, v16;
	v9 =	vadd.f32 v9, v16  }
0x1ec: {  	v18 =	vld.idx.msk [tilespmem:v12+s31+$0x0], $0xffff  }
0x1ed: {  	v19 =	vadd.s32 $0x7, v4;
	v16 =	vld.idx.msk [tilespmem:v12+s18+$0x0], $0xffff;
	v8 =	vadd.f32 v11, v8;
	v6 =	vadd.f32 v6, v9  }
0x1ee: {  	v9 =	vld.idx.msk [tilespmem:v14+s18+$0x0], $0xffff  }
0x1ef: {  	v12 =	vadd.s32 $0x8, v4;
	v11 =	vld.idx.msk [tilespmem:v14+s31+$0x0], $0xffff;
	v8 =	vadd.f32 v13, v8;
	v6 =	vadd.f32 v7, v6  }
0x1f0: {  	v7 =	vld.idx.msk [tilespmem:v10+s18+$0x0], $0xffff  }
0x1f1: {  	v10 =	vld.idx.msk [tilespmem:v10+s31+$0x0], $0xffff;
	v14 =	vadd.f32 v15, v8;
	v6 =	vadd.f32 v17, v6;
	v15 =	vadd.s32 $0x9, v4  }
0x1f2: {  	v13 =	vld.idx.msk [tilespmem:v19+s31+$0x0], $0xffff  }
0x1f3: {  	v8 =	vld.idx.msk [tilespmem:v19+s18+$0x0], $0xffff;
	v16 =	vadd.f32 v16, v14;
	v17 =	vadd.f32 v18, v6  }
0x1f4: {  	s0 =	simm.s32 $0x0;
	v6 =	vadd.s32 $0xA, v4;
	v14 =	vld.idx.msk [tilespmem:v12+s18+$0x0], $0xffff  }
.LBB2_15:
0x1f5: {  	v18 =	vor.u32 $0x1, v6;
	v9 =	vadd.f32 v9, v16;
	v11 =	vadd.f32 v11, v17;
	v12 =	vld.idx.msk [tilespmem:v12+s31+$0x0], $0xffff  }
0x1f6: {  	s0 =	sadd.s32 $0xA, s0;
	v16 =	vld.idx.msk [tilespmem:v15+s18+$0x0], $0xffff  }
0x1f7: {  	v17 =	vadd.s32 $0x2, v6;
	p2 =	slt.u32 s0, $0x28;
	v7 =	vadd.f32 v7, v9;
	v9 =	vadd.f32 v10, v11;
	v10 =	vld.idx.msk [tilespmem:v15+s31+$0x0], $0xffff  }
0x1f8: {  	v11 =	vld.idx.msk [tilespmem:v6+s18+$0x0], $0xffff  }
0x1f9: {  	v19 =	vadd.s32 $0x3, v6;
	v15 =	vld.idx.msk [tilespmem:v6+s31+$0x0], $0xffff;
	v7 =	vadd.f32 v8, v7;
	v8 =	vadd.f32 v13, v9  }
0x1fa: {  	v9 =	vld.idx.msk [tilespmem:v18+s18+$0x0], $0xffff  }
0x1fb: {  	v13 =	vld.idx.msk [tilespmem:v18+s31+$0x0], $0xffff;
	v18 =	vadd.s32 $0x4, v6;
	v7 =	vadd.f32 v14, v7;
	v8 =	vadd.f32 v12, v8  }
0x1fc: {  	v12 =	vld.idx.msk [tilespmem:v17+s18+$0x0], $0xffff  }
0x1fd: {  	v14 =	vld.idx.msk [tilespmem:v17+s31+$0x0], $0xffff;
	v17 =	vadd.s32 $0x5, v6;
	v7 =	vadd.f32 v16, v7;
	v8 =	vadd.f32 v10, v8  }
0x1fe: {  	v10 =	vld.idx.msk [tilespmem:v19+s18+$0x0], $0xffff  }
0x1ff: {  	v16 =	vadd.s32 $0x6, v6;
	v7 =	vadd.f32 v11, v7;
	v8 =	vadd.f32 v15, v8;
	v15 =	vld.idx.msk [tilespmem:v19+s31+$0x0], $0xffff  }
0x200: {  	v19 =	vld.idx.msk [tilespmem:v18+s18+$0x0], $0xffff  }
0x201: {  	v7 =	vadd.f32 v9, v7;
	v8 =	vadd.f32 v13, v8;
	v13 =	vld.idx.msk [tilespmem:v18+s31+$0x0], $0xffff;
	v18 =	vadd.s32 $0x7, v6  }
0x202: {  	v9 =	vld.idx.msk [tilespmem:v17+s18+$0x0], $0xffff  }
0x203: {  	v20 =	vadd.f32 v12, v7;
	v8 =	vadd.f32 v14, v8;
	v11 =	vld.idx.msk [tilespmem:v17+s31+$0x0], $0xffff;
	v12 =	vadd.s32 $0x8, v6  }
.Ltmp7:
0x204: {  	v7 =	vld.idx.msk [tilespmem:v16+s18+$0x0], $0xffff;
	(pc) =	sbr.rel @p2 .LBB2_15-.Ltmp7, $4  }
0x205: {  	v14 =	vadd.f32 v10, v20;
	v17 =	vadd.f32 v15, v8;
	v10 =	vld.idx.msk [tilespmem:v16+s31+$0x0], $0xffff;
	v15 =	vadd.s32 $0x9, v6  }
0x206: {  	v8 =	vld.idx.msk [tilespmem:v18+s18+$0x0], $0xffff  }
0x207: {  	v6 =	vadd.s32 $0xA, v6;
	v16 =	vadd.f32 v19, v14;
	v17 =	vadd.f32 v13, v17;
	v13 =	vld.idx.msk [tilespmem:v18+s31+$0x0], $0xffff  }
0x208: {  	v14 =	vld.idx.msk [tilespmem:v12+s18+$0x0], $0xffff  }
0x209: {  	_ =	sdelay $0x2  }
0x20a: {  	v6 =	vadd.f32 v9, v16;
	v9 =	vadd.f32 v11, v17  }
0x20b: {  	v11 =	vld.idx.msk [tilespmem:v12+s31+$0x0], $0xffff  }
0x20c: {  	v12 =	vld.idx.msk [tilespmem:v15+s18+$0x0], $0xffff;
	v6 =	vadd.f32 v7, v6;
	v7 =	vadd.f32 v10, v9  }
0x20d: {  	v9 =	vld.idx.msk [tilespmem:v15+s31+$0x0], $0xffff  }
0x20e: {  	v6 =	vadd.f32 v8, v6;
	v7 =	vadd.f32 v13, v7;
	_ =	sdelay $0x1  }
0x20f: {  	v6 =	vadd.f32 v14, v6;
	v7 =	vadd.f32 v11, v7;
	_ =	sdelay $0x1  }
0x210: {  	v6 =	vadd.f32 v12, v6;
	v7 =	vadd.f32 v9, v7;
	_ =	sdelay $0x1  }
0x211: {  	v6 =	vadd.f32 v7, v6;
	_ =	sdelay $0x1  }
0x212: {  	v6 =	vadd.f32 v6, v5;
	_ =	sdelay $0x1  }
0x213: {  	v6 =	vsub.f32 $0.0e+00, v6;
	_ =	sdelay $0x1  }
0x214: {  	v6 =	vmul.f32 $1.442695020e+00, v6;
	_ =	sdelay $0x1  }
0x215: {  	(erf) = vpow2.f32 v6;
	_ =	sdelay $0x8  }
0x216: {  	v6 =	vpop (erf)  }
0x217: {  	v6 =	vadd.f32 $1.000000000e+00, v6;
	_ =	sdelay $0x1  }
0x218: {  	(erf) = vrcp.f32 v6;
	_ =	sdelay $0x5  }
0x219: {  	v6 =	vadd.s32 $0xFA0, v0;
	_ =	sdelay $0x1  }
0x21a: {  	v7 =	vor.u32 $0x1, v6  }
0x21b: {  	v8 =	vpop (erf)  }
0x21c: {  	v11 =	vadd.s32 $0x3, v6;
	[tilespmem:$0x6A40] =	vst v8  }
0x21d: {  	v8 =	vadd.s32 $0x2, v6;
	v9 =	vld.idx.msk [tilespmem:v6+s18+$0x0], $0xffff  }
0x21e: {  	v10 =	vld.idx.msk [tilespmem:v6+s31+$0x0], $0xffff  }
0x21f: {  	v12 =	vld.idx.msk [tilespmem:v7+s18+$0x0], $0xffff  }
0x220: {  	v13 =	vadd.s32 $0x4, v6;
	v7 =	vld.idx.msk [tilespmem:v7+s31+$0x0], $0xffff  }
0x221: {  	v16 =	vld.idx.msk [tilespmem:v11+s18+$0x0], $0xffff  }
0x222: {  	v15 =	vadd.s32 $0x5, v6;
	v14 =	vld.idx.msk [tilespmem:v8+s18+$0x0], $0xffff  }
0x223: {  	v17 =	vimm.f32 $0.0e+00;
	v8 =	vld.idx.msk [tilespmem:v8+s31+$0x0], $0xffff  }
0x224: {  	v19 =	vadd.s32 $0x6, v6;
	v18 =	vld.idx.msk [tilespmem:v11+s31+$0x0], $0xffff;
	v9 =	vadd.f32 v9, v17;
	v10 =	vadd.f32 v10, v17  }
0x225: {  	v20 =	vld.idx.msk [tilespmem:v13+s31+$0x0], $0xffff  }
0x226: {  	v17 =	vld.idx.msk [tilespmem:v13+s18+$0x0], $0xffff;
	v13 =	vadd.s32 $0x7, v6;
	v21 =	vadd.f32 v12, v9;
	v7 =	vadd.f32 v7, v10  }
0x227: {  	v11 =	vld.idx.msk [tilespmem:v15+s31+$0x0], $0xffff  }
0x228: {  	v9 =	vld.idx.msk [tilespmem:v15+s18+$0x0], $0xffff;
	v12 =	vadd.s32 $0x8, v6;
	v14 =	vadd.f32 v14, v21;
	v8 =	vadd.f32 v8, v7  }
0x229: {  	v10 =	vld.idx.msk [tilespmem:v19+s31+$0x0], $0xffff  }
0x22a: {  	v15 =	vadd.s32 $0x9, v6;
	v7 =	vld.idx.msk [tilespmem:v19+s18+$0x0], $0xffff;
	v14 =	vadd.f32 v16, v14;
	v18 =	vadd.f32 v18, v8  }
0x22b: {  	v8 =	vld.idx.msk [tilespmem:v13+s18+$0x0], $0xffff  }
0x22c: {  	v13 =	vld.idx.msk [tilespmem:v13+s31+$0x0], $0xffff;
	v16 =	vadd.f32 v17, v14;
	v17 =	vadd.f32 v20, v18  }
0x22d: {  	s0 =	simm.s32 $0x0;
	v6 =	vadd.s32 $0xA, v6;
	v14 =	vld.idx.msk [tilespmem:v12+s18+$0x0], $0xffff  }
.LBB2_17:
0x22e: {  	v18 =	vor.u32 $0x1, v6;
	v9 =	vadd.f32 v9, v16;
	v11 =	vadd.f32 v11, v17;
	v12 =	vld.idx.msk [tilespmem:v12+s31+$0x0], $0xffff  }
0x22f: {  	s0 =	sadd.s32 $0xA, s0;
	v16 =	vld.idx.msk [tilespmem:v15+s18+$0x0], $0xffff  }
0x230: {  	v17 =	vadd.s32 $0x2, v6;
	p2 =	slt.u32 s0, $0x28;
	v7 =	vadd.f32 v7, v9;
	v9 =	vadd.f32 v10, v11;
	v10 =	vld.idx.msk [tilespmem:v15+s31+$0x0], $0xffff  }
0x231: {  	v11 =	vld.idx.msk [tilespmem:v6+s18+$0x0], $0xffff  }
0x232: {  	v19 =	vadd.s32 $0x3, v6;
	v15 =	vld.idx.msk [tilespmem:v6+s31+$0x0], $0xffff;
	v7 =	vadd.f32 v8, v7;
	v8 =	vadd.f32 v13, v9  }
0x233: {  	v9 =	vld.idx.msk [tilespmem:v18+s18+$0x0], $0xffff  }
0x234: {  	v13 =	vld.idx.msk [tilespmem:v18+s31+$0x0], $0xffff;
	v18 =	vadd.s32 $0x4, v6;
	v7 =	vadd.f32 v14, v7;
	v8 =	vadd.f32 v12, v8  }
0x235: {  	v12 =	vld.idx.msk [tilespmem:v17+s18+$0x0], $0xffff  }
0x236: {  	v14 =	vld.idx.msk [tilespmem:v17+s31+$0x0], $0xffff;
	v17 =	vadd.s32 $0x5, v6;
	v7 =	vadd.f32 v16, v7;
	v8 =	vadd.f32 v10, v8  }
0x237: {  	v10 =	vld.idx.msk [tilespmem:v19+s18+$0x0], $0xffff  }
0x238: {  	v16 =	vadd.s32 $0x6, v6;
	v7 =	vadd.f32 v11, v7;
	v8 =	vadd.f32 v15, v8;
	v15 =	vld.idx.msk [tilespmem:v19+s31+$0x0], $0xffff  }
0x239: {  	v19 =	vld.idx.msk [tilespmem:v18+s18+$0x0], $0xffff  }
0x23a: {  	v7 =	vadd.f32 v9, v7;
	v8 =	vadd.f32 v13, v8;
	v13 =	vld.idx.msk [tilespmem:v18+s31+$0x0], $0xffff;
	v18 =	vadd.s32 $0x7, v6  }
0x23b: {  	v9 =	vld.idx.msk [tilespmem:v17+s18+$0x0], $0xffff  }
0x23c: {  	v20 =	vadd.f32 v12, v7;
	v8 =	vadd.f32 v14, v8;
	v11 =	vld.idx.msk [tilespmem:v17+s31+$0x0], $0xffff;
	v12 =	vadd.s32 $0x8, v6  }
.Ltmp8:
0x23d: {  	v7 =	vld.idx.msk [tilespmem:v16+s18+$0x0], $0xffff;
	(pc) =	sbr.rel @p2 .LBB2_17-.Ltmp8, $4  }
0x23e: {  	v14 =	vadd.f32 v10, v20;
	v17 =	vadd.f32 v15, v8;
	v10 =	vld.idx.msk [tilespmem:v16+s31+$0x0], $0xffff;
	v15 =	vadd.s32 $0x9, v6  }
0x23f: {  	v8 =	vld.idx.msk [tilespmem:v18+s18+$0x0], $0xffff  }
0x240: {  	v6 =	vadd.s32 $0xA, v6;
	v16 =	vadd.f32 v19, v14;
	v17 =	vadd.f32 v13, v17;
	v13 =	vld.idx.msk [tilespmem:v18+s31+$0x0], $0xffff  }
0x241: {  	v14 =	vld.idx.msk [tilespmem:v12+s18+$0x0], $0xffff  }
0x242: {  	_ =	sdelay $0x2  }
0x243: {  	v6 =	vadd.f32 v9, v16;
	v9 =	vadd.f32 v11, v17  }
0x244: {  	v11 =	vld.idx.msk [tilespmem:v12+s31+$0x0], $0xffff  }
0x245: {  	v12 =	vld.idx.msk [tilespmem:v15+s18+$0x0], $0xffff;
	v6 =	vadd.f32 v7, v6;
	v7 =	vadd.f32 v10, v9  }
0x246: {  	v9 =	vld.idx.msk [tilespmem:v15+s31+$0x0], $0xffff  }
0x247: {  	v6 =	vadd.f32 v8, v6;
	v7 =	vadd.f32 v13, v7;
	_ =	sdelay $0x1  }
0x248: {  	v6 =	vadd.f32 v14, v6;
	v7 =	vadd.f32 v11, v7;
	_ =	sdelay $0x1  }
0x249: {  	v6 =	vadd.f32 v12, v6;
	v7 =	vadd.f32 v9, v7;
	_ =	sdelay $0x1  }
0x24a: {  	v6 =	vadd.f32 v7, v6;
	_ =	sdelay $0x1  }
0x24b: {  	v6 =	vadd.f32 v6, v5;
	_ =	sdelay $0x1  }
0x24c: {  	v6 =	vsub.f32 $0.0e+00, v6;
	_ =	sdelay $0x1  }
0x24d: {  	v6 =	vmul.f32 $1.442695020e+00, v6;
	_ =	sdelay $0x1  }
0x24e: {  	(erf) = vpow2.f32 v6;
	_ =	sdelay $0x8  }
0x24f: {  	v6 =	vpop (erf)  }
0x250: {  	v6 =	vadd.f32 $1.000000000e+00, v6;
	_ =	sdelay $0x1  }
0x251: {  	(erf) = vrcp.f32 v6;
	_ =	sdelay $0x5  }
0x252: {  	v6 =	vadd.s32 $0x12C0, v0;
	_ =	sdelay $0x1  }
0x253: {  	v7 =	vor.u32 $0x1, v6  }
0x254: {  	v8 =	vpop (erf)  }
0x255: {  	v11 =	vadd.s32 $0x3, v6;
	[tilespmem:$0x6A50] =	vst v8  }
0x256: {  	v8 =	vadd.s32 $0x2, v6;
	v9 =	vld.idx.msk [tilespmem:v6+s18+$0x0], $0xffff  }
0x257: {  	v10 =	vld.idx.msk [tilespmem:v6+s31+$0x0], $0xffff  }
0x258: {  	v12 =	vld.idx.msk [tilespmem:v7+s18+$0x0], $0xffff  }
0x259: {  	v13 =	vadd.s32 $0x4, v6;
	v7 =	vld.idx.msk [tilespmem:v7+s31+$0x0], $0xffff  }
0x25a: {  	v16 =	vld.idx.msk [tilespmem:v11+s18+$0x0], $0xffff  }
0x25b: {  	v15 =	vadd.s32 $0x5, v6;
	v14 =	vld.idx.msk [tilespmem:v8+s18+$0x0], $0xffff  }
0x25c: {  	v17 =	vimm.f32 $0.0e+00;
	v8 =	vld.idx.msk [tilespmem:v8+s31+$0x0], $0xffff  }
0x25d: {  	v19 =	vadd.s32 $0x6, v6;
	v18 =	vld.idx.msk [tilespmem:v11+s31+$0x0], $0xffff;
	v9 =	vadd.f32 v9, v17;
	v10 =	vadd.f32 v10, v17  }
0x25e: {  	v20 =	vld.idx.msk [tilespmem:v13+s31+$0x0], $0xffff  }
0x25f: {  	v17 =	vld.idx.msk [tilespmem:v13+s18+$0x0], $0xffff;
	v13 =	vadd.s32 $0x7, v6;
	v21 =	vadd.f32 v12, v9;
	v7 =	vadd.f32 v7, v10  }
0x260: {  	v11 =	vld.idx.msk [tilespmem:v15+s31+$0x0], $0xffff  }
0x261: {  	v9 =	vld.idx.msk [tilespmem:v15+s18+$0x0], $0xffff;
	v12 =	vadd.s32 $0x8, v6;
	v14 =	vadd.f32 v14, v21;
	v8 =	vadd.f32 v8, v7  }
0x262: {  	v10 =	vld.idx.msk [tilespmem:v19+s31+$0x0], $0xffff  }
0x263: {  	v15 =	vadd.s32 $0x9, v6;
	v7 =	vld.idx.msk [tilespmem:v19+s18+$0x0], $0xffff;
	v14 =	vadd.f32 v16, v14;
	v18 =	vadd.f32 v18, v8  }
0x264: {  	v8 =	vld.idx.msk [tilespmem:v13+s18+$0x0], $0xffff  }
0x265: {  	v13 =	vld.idx.msk [tilespmem:v13+s31+$0x0], $0xffff;
	v16 =	vadd.f32 v17, v14;
	v17 =	vadd.f32 v20, v18  }
0x266: {  	s0 =	simm.s32 $0x0;
	v6 =	vadd.s32 $0xA, v6;
	v14 =	vld.idx.msk [tilespmem:v12+s18+$0x0], $0xffff  }
.LBB2_19:
0x267: {  	v18 =	vor.u32 $0x1, v6;
	v9 =	vadd.f32 v9, v16;
	v11 =	vadd.f32 v11, v17;
	v12 =	vld.idx.msk [tilespmem:v12+s31+$0x0], $0xffff  }
0x268: {  	s0 =	sadd.s32 $0xA, s0;
	v16 =	vld.idx.msk [tilespmem:v15+s18+$0x0], $0xffff  }
0x269: {  	v17 =	vadd.s32 $0x2, v6;
	p2 =	slt.u32 s0, $0x28;
	v7 =	vadd.f32 v7, v9;
	v9 =	vadd.f32 v10, v11;
	v10 =	vld.idx.msk [tilespmem:v15+s31+$0x0], $0xffff  }
0x26a: {  	v11 =	vld.idx.msk [tilespmem:v6+s18+$0x0], $0xffff  }
0x26b: {  	v19 =	vadd.s32 $0x3, v6;
	v15 =	vld.idx.msk [tilespmem:v6+s31+$0x0], $0xffff;
	v7 =	vadd.f32 v8, v7;
	v8 =	vadd.f32 v13, v9  }
0x26c: {  	v9 =	vld.idx.msk [tilespmem:v18+s18+$0x0], $0xffff  }
0x26d: {  	v13 =	vld.idx.msk [tilespmem:v18+s31+$0x0], $0xffff;
	v18 =	vadd.s32 $0x4, v6;
	v7 =	vadd.f32 v14, v7;
	v8 =	vadd.f32 v12, v8  }
0x26e: {  	v12 =	vld.idx.msk [tilespmem:v17+s18+$0x0], $0xffff  }
0x26f: {  	v14 =	vld.idx.msk [tilespmem:v17+s31+$0x0], $0xffff;
	v17 =	vadd.s32 $0x5, v6;
	v7 =	vadd.f32 v16, v7;
	v8 =	vadd.f32 v10, v8  }
0x270: {  	v10 =	vld.idx.msk [tilespmem:v19+s18+$0x0], $0xffff  }
0x271: {  	v16 =	vadd.s32 $0x6, v6;
	v7 =	vadd.f32 v11, v7;
	v8 =	vadd.f32 v15, v8;
	v15 =	vld.idx.msk [tilespmem:v19+s31+$0x0], $0xffff  }
0x272: {  	v19 =	vld.idx.msk [tilespmem:v18+s18+$0x0], $0xffff  }
0x273: {  	v7 =	vadd.f32 v9, v7;
	v8 =	vadd.f32 v13, v8;
	v13 =	vld.idx.msk [tilespmem:v18+s31+$0x0], $0xffff;
	v18 =	vadd.s32 $0x7, v6  }
0x274: {  	v9 =	vld.idx.msk [tilespmem:v17+s18+$0x0], $0xffff  }
0x275: {  	v20 =	vadd.f32 v12, v7;
	v8 =	vadd.f32 v14, v8;
	v11 =	vld.idx.msk [tilespmem:v17+s31+$0x0], $0xffff;
	v12 =	vadd.s32 $0x8, v6  }
.Ltmp9:
0x276: {  	v7 =	vld.idx.msk [tilespmem:v16+s18+$0x0], $0xffff;
	(pc) =	sbr.rel @p2 .LBB2_19-.Ltmp9, $4  }
0x277: {  	v14 =	vadd.f32 v10, v20;
	v17 =	vadd.f32 v15, v8;
	v10 =	vld.idx.msk [tilespmem:v16+s31+$0x0], $0xffff;
	v15 =	vadd.s32 $0x9, v6  }
0x278: {  	v8 =	vld.idx.msk [tilespmem:v18+s18+$0x0], $0xffff  }
0x279: {  	v6 =	vadd.s32 $0xA, v6;
	v16 =	vadd.f32 v19, v14;
	v17 =	vadd.f32 v13, v17;
	v13 =	vld.idx.msk [tilespmem:v18+s31+$0x0], $0xffff  }
0x27a: {  	v14 =	vld.idx.msk [tilespmem:v12+s18+$0x0], $0xffff  }
0x27b: {  	_ =	sdelay $0x2  }
0x27c: {  	v6 =	vadd.f32 v9, v16;
	v9 =	vadd.f32 v11, v17  }
0x27d: {  	v11 =	vld.idx.msk [tilespmem:v12+s31+$0x0], $0xffff  }
0x27e: {  	v12 =	vld.idx.msk [tilespmem:v15+s18+$0x0], $0xffff;
	v6 =	vadd.f32 v7, v6;
	v7 =	vadd.f32 v10, v9  }
0x27f: {  	v9 =	vld.idx.msk [tilespmem:v15+s31+$0x0], $0xffff  }
0x280: {  	v6 =	vadd.f32 v8, v6;
	v7 =	vadd.f32 v13, v7;
	_ =	sdelay $0x1  }
0x281: {  	v6 =	vadd.f32 v14, v6;
	v7 =	vadd.f32 v11, v7;
	_ =	sdelay $0x1  }
0x282: {  	v6 =	vadd.f32 v12, v6;
	v7 =	vadd.f32 v9, v7;
	_ =	sdelay $0x1  }
0x283: {  	v6 =	vadd.f32 v7, v6;
	_ =	sdelay $0x1  }
0x284: {  	v6 =	vadd.f32 v6, v5;
	_ =	sdelay $0x1  }
0x285: {  	v6 =	vsub.f32 $0.0e+00, v6;
	_ =	sdelay $0x1  }
0x286: {  	v6 =	vmul.f32 $1.442695020e+00, v6;
	_ =	sdelay $0x1  }
0x287: {  	(erf) = vpow2.f32 v6;
	_ =	sdelay $0x8  }
0x288: {  	v6 =	vpop (erf)  }
0x289: {  	v6 =	vadd.f32 $1.000000000e+00, v6;
	_ =	sdelay $0x1  }
0x28a: {  	(erf) = vrcp.f32 v6;
	_ =	sdelay $0x5  }
0x28b: {  	v6 =	vadd.s32 $0x15E0, v0;
	_ =	sdelay $0x1  }
0x28c: {  	v7 =	vor.u32 $0x1, v6  }
0x28d: {  	v8 =	vpop (erf)  }
0x28e: {  	v11 =	vadd.s32 $0x3, v6;
	[tilespmem:$0x6A60] =	vst v8  }
0x28f: {  	v8 =	vadd.s32 $0x2, v6;
	v9 =	vld.idx.msk [tilespmem:v6+s18+$0x0], $0xffff  }
0x290: {  	v10 =	vld.idx.msk [tilespmem:v6+s31+$0x0], $0xffff  }
0x291: {  	v12 =	vld.idx.msk [tilespmem:v7+s18+$0x0], $0xffff  }
0x292: {  	v13 =	vadd.s32 $0x4, v6;
	v7 =	vld.idx.msk [tilespmem:v7+s31+$0x0], $0xffff  }
0x293: {  	v16 =	vld.idx.msk [tilespmem:v11+s18+$0x0], $0xffff  }
0x294: {  	v15 =	vadd.s32 $0x5, v6;
	v14 =	vld.idx.msk [tilespmem:v8+s18+$0x0], $0xffff  }
0x295: {  	v17 =	vimm.f32 $0.0e+00;
	v8 =	vld.idx.msk [tilespmem:v8+s31+$0x0], $0xffff  }
0x296: {  	v19 =	vadd.s32 $0x6, v6;
	v18 =	vld.idx.msk [tilespmem:v11+s31+$0x0], $0xffff;
	v9 =	vadd.f32 v9, v17;
	v10 =	vadd.f32 v10, v17  }
0x297: {  	v20 =	vld.idx.msk [tilespmem:v13+s31+$0x0], $0xffff  }
0x298: {  	v17 =	vld.idx.msk [tilespmem:v13+s18+$0x0], $0xffff;
	v13 =	vadd.s32 $0x7, v6;
	v21 =	vadd.f32 v12, v9;
	v7 =	vadd.f32 v7, v10  }
0x299: {  	v11 =	vld.idx.msk [tilespmem:v15+s31+$0x0], $0xffff  }
0x29a: {  	v9 =	vld.idx.msk [tilespmem:v15+s18+$0x0], $0xffff;
	v12 =	vadd.s32 $0x8, v6;
	v14 =	vadd.f32 v14, v21;
	v8 =	vadd.f32 v8, v7  }
0x29b: {  	v10 =	vld.idx.msk [tilespmem:v19+s31+$0x0], $0xffff  }
0x29c: {  	v15 =	vadd.s32 $0x9, v6;
	v7 =	vld.idx.msk [tilespmem:v19+s18+$0x0], $0xffff;
	v14 =	vadd.f32 v16, v14;
	v18 =	vadd.f32 v18, v8  }
0x29d: {  	v8 =	vld.idx.msk [tilespmem:v13+s18+$0x0], $0xffff  }
0x29e: {  	v13 =	vld.idx.msk [tilespmem:v13+s31+$0x0], $0xffff;
	v16 =	vadd.f32 v17, v14;
	v17 =	vadd.f32 v20, v18  }
0x29f: {  	s0 =	simm.s32 $0x0;
	v6 =	vadd.s32 $0xA, v6;
	v14 =	vld.idx.msk [tilespmem:v12+s18+$0x0], $0xffff  }
.LBB2_21:
0x2a0: {  	v18 =	vor.u32 $0x1, v6;
	v9 =	vadd.f32 v9, v16;
	v11 =	vadd.f32 v11, v17;
	v12 =	vld.idx.msk [tilespmem:v12+s31+$0x0], $0xffff  }
0x2a1: {  	s0 =	sadd.s32 $0xA, s0;
	v16 =	vld.idx.msk [tilespmem:v15+s18+$0x0], $0xffff  }
0x2a2: {  	v17 =	vadd.s32 $0x2, v6;
	p2 =	slt.u32 s0, $0x28;
	v7 =	vadd.f32 v7, v9;
	v9 =	vadd.f32 v10, v11;
	v10 =	vld.idx.msk [tilespmem:v15+s31+$0x0], $0xffff  }
0x2a3: {  	v11 =	vld.idx.msk [tilespmem:v6+s18+$0x0], $0xffff  }
0x2a4: {  	v19 =	vadd.s32 $0x3, v6;
	v15 =	vld.idx.msk [tilespmem:v6+s31+$0x0], $0xffff;
	v7 =	vadd.f32 v8, v7;
	v8 =	vadd.f32 v13, v9  }
0x2a5: {  	v9 =	vld.idx.msk [tilespmem:v18+s18+$0x0], $0xffff  }
0x2a6: {  	v13 =	vld.idx.msk [tilespmem:v18+s31+$0x0], $0xffff;
	v18 =	vadd.s32 $0x4, v6;
	v7 =	vadd.f32 v14, v7;
	v8 =	vadd.f32 v12, v8  }
0x2a7: {  	v12 =	vld.idx.msk [tilespmem:v17+s18+$0x0], $0xffff  }
0x2a8: {  	v14 =	vld.idx.msk [tilespmem:v17+s31+$0x0], $0xffff;
	v17 =	vadd.s32 $0x5, v6;
	v7 =	vadd.f32 v16, v7;
	v8 =	vadd.f32 v10, v8  }
0x2a9: {  	v10 =	vld.idx.msk [tilespmem:v19+s18+$0x0], $0xffff  }
0x2aa: {  	v16 =	vadd.s32 $0x6, v6;
	v7 =	vadd.f32 v11, v7;
	v8 =	vadd.f32 v15, v8;
	v15 =	vld.idx.msk [tilespmem:v19+s31+$0x0], $0xffff  }
0x2ab: {  	v19 =	vld.idx.msk [tilespmem:v18+s18+$0x0], $0xffff  }
0x2ac: {  	v7 =	vadd.f32 v9, v7;
	v8 =	vadd.f32 v13, v8;
	v13 =	vld.idx.msk [tilespmem:v18+s31+$0x0], $0xffff;
	v18 =	vadd.s32 $0x7, v6  }
0x2ad: {  	v9 =	vld.idx.msk [tilespmem:v17+s18+$0x0], $0xffff  }
0x2ae: {  	v20 =	vadd.f32 v12, v7;
	v8 =	vadd.f32 v14, v8;
	v11 =	vld.idx.msk [tilespmem:v17+s31+$0x0], $0xffff;
	v12 =	vadd.s32 $0x8, v6  }
.Ltmp10:
0x2af: {  	v7 =	vld.idx.msk [tilespmem:v16+s18+$0x0], $0xffff;
	(pc) =	sbr.rel @p2 .LBB2_21-.Ltmp10, $4  }
0x2b0: {  	v14 =	vadd.f32 v10, v20;
	v17 =	vadd.f32 v15, v8;
	v10 =	vld.idx.msk [tilespmem:v16+s31+$0x0], $0xffff;
	v15 =	vadd.s32 $0x9, v6  }
0x2b1: {  	v8 =	vld.idx.msk [tilespmem:v18+s18+$0x0], $0xffff  }
0x2b2: {  	v6 =	vadd.s32 $0xA, v6;
	v16 =	vadd.f32 v19, v14;
	v17 =	vadd.f32 v13, v17;
	v13 =	vld.idx.msk [tilespmem:v18+s31+$0x0], $0xffff  }
0x2b3: {  	v14 =	vld.idx.msk [tilespmem:v12+s18+$0x0], $0xffff  }
0x2b4: {  	_ =	sdelay $0x2  }
0x2b5: {  	v6 =	vadd.f32 v9, v16;
	v60 =	vadd.f32 v11, v17  }
0x2b6: {  	v61 =	vld.idx.msk [tilespmem:v12+s31+$0x0], $0xffff  }
0x2b7: {  	v62 =	vld.idx.msk [tilespmem:v15+s18+$0x0], $0xffff;
	v6 =	vadd.f32 v7, v6;
	v7 =	vadd.f32 v10, v60  }
0x2b8: {  	v63 =	vld.idx.msk [tilespmem:v15+s31+$0x0], $0xffff  }
0x2b9: {  	v6 =	vadd.f32 v8, v6;
	v7 =	vadd.f32 v13, v7;
	_ =	sdelay $0x1  }
0x2ba: {  	v6 =	vadd.f32 v14, v6;
	v7 =	vadd.f32 v61, v7;
	_ =	sdelay $0x1  }
0x2bb: {  	v6 =	vadd.f32 v62, v6;
	v7 =	vadd.f32 v63, v7;
	_ =	sdelay $0x1  }
0x2bc: {  	v6 =	vadd.f32 v7, v6;
	_ =	sdelay $0x1  }
0x2bd: {  	v5 =	vadd.f32 v6, v5;
	_ =	sdelay $0x1  }
0x2be: {  	v5 =	vsub.f32 $0.0e+00, v5;
	_ =	sdelay $0x1  }
0x2bf: {  	v5 =	vmul.f32 $1.442695020e+00, v5;
	_ =	sdelay $0x1  }
0x2c0: {  	(erf) = vpow2.f32 v5;
	_ =	sdelay $0x8  }
0x2c1: {  	v5 =	vpop (erf)  }
0x2c2: {  	v5 =	vadd.f32 $1.000000000e+00, v5;
	_ =	sdelay $0x1  }
0x2c3: {  	(erf) = vrcp.f32 v5;
	_ =	sdelay $0x7  }
0x2c4: {  	s3 =	sadd.s32 $0x1, s3  }
0x2c5: {  	p2 =	sne.s32 s3, s10;
	v5 =	vpop (erf)  }
.Ltmp11:
0x2c6: {  	[tilespmem:$0x6A70] =	vst v5;
	(pc) =	sbr.rel @p2 .LBB2_1-.Ltmp11, $4  }
0x2c7: {  	[hbm4b:s9+s5] =	stream.linear.scatter [tilespmem:s30], [sflag:$0x6], $0x80, $0x38;
	[tilespmem:$0x9BE0] =	vst v63  }
0x2c8: {  	_ =	swait.ge [sflag:s13], $0x80  }
0x2c9: {  	[sflag:s13] =	ssyncset.done $0x0  }
0x2ca: {  	[sflag:s13] =	ssyncadd.s32 $0xFFFFFF80  }
0x2cb: {  	_ =	sfence.sel $0x180000  }
0x2cc: {  	[bflag:$0x0] =	sbarrier.arrive $0xFFFF  }
0x2cd: {  	_ =	strace $0x90000047  }
0x2ce: {  	[bflag:$0x2] =	sbarrier.arrive $0xFFFF  }
0x2cf: {  	s0 =	rddreg [dreg:$0x6]  }
0x2d0: {  	s0 =	sadd.s32 @!p1 $0x100000, s0  }
0x2d1: {  	[sflag:s0] =	ssyncadd.tile.s32 @!p1 $0x1;
	_ =	shalt  }
.Lfunc_end2:
_tile_overlayer_lowered:
.L_overlay_start_2:
0x2d2: {  	(tag) =	ssettag $0x2  }
0x2d3: {  	s0 =	rddreg [dreg:$0x0];
	s2 =	stileid.u32  }
0x2d4: {  	s1 =	rddreg [dreg:$0x1];
	p0 =	sne.s32 s2, $0x0  }
0x2d5: {  	s3 =	rddreg [dreg:$0x2];
	[bflag:$0x3] =	sbarrier.arrive $0xFFFF;
	s2 =	simm.s32 @!p0 $0x1C06  }
0x2d6: {  	[timem:s3], [sflag:s2] =	dma.local @!p0 [hbm:s0], s1  }
0x2d7: {  	s0 =	simm.s32 @!p0 $0x6  }
0x2d8: {  	_ =	swait.ge @!p0 [sflag:s0], s1  }
0x2d9: {  	s1 =	ssub.s32 @!p0 $0x0, s1;
	[sflag:s0] =	ssyncset.done @!p0 $0x0  }
0x2da: {  	[sflag:s0] =	ssyncadd.s32 @!p0 s1  }
0x2db: {  	[bflag:$0x3] =	sbarrier.arrive $0xFFFF  }
0x2dc: {  	_ =	shalt  }

</sc_bundles>
